<compile_context>
chip_gen: v7x
topology: tpu7x:2x2x1
jax: 0.10.2.dev20260603
libtpu: 0.0.44.dev20260713+nightly
codegen_flags: <defaults>
</compile_context>

<pallas_src>
import jax
import jax.numpy as jnp
from jax import lax
from jax.experimental import pallas as pl
from jax.experimental.pallas import tpu as pltpu
from jax.experimental.pallas import tpu_sc as plsc

N = 5000
D = 32
BATCH = 64
THRESHOLD = 0.5
NPAD = 5120
NELEM = 5008
ROWBLK = 128
GRID = NPAD // ROWBLK
HEADBLKS = 2
HEAD = HEADBLKS * ROWBLK
NW = NELEM // 16
NWROW = NPAD // 16
COS_THR = 2.0 * THRESHOLD - 1.0


def _tc_scores_body(v_blk, vt_all, counts_ref, shead_out, scores_out):
    i = pl.program_id(0)
    S = lax.dot_general(v_blk[...], vt_all[...], (((1,), (0,)), ((), ())),
                        preferred_element_type=jnp.float32)
    w = jnp.log1p(counts_ref[...].astype(jnp.float32))
    contrib = jnp.where(S >= COS_THR, S, 0.0) * w
    scores_out[...] = jnp.sum(contrib, axis=1).reshape(1, 1, ROWBLK)

    @pl.when(i < HEADBLKS)
    def _():
        shead_out[...] = S


def _tc_full_s_body(v_blk, vt_all, s_out):
    s_out[...] = lax.dot_general(v_blk[...], vt_all[...],
                                 (((1,), (0,)), ((), ())),
                                 preferred_element_type=jnp.float32)


def _merge_steps(s_hbm, row_v, gids_v, mark_v, r_start, r_stop):
    iota = lax.iota(jnp.int32, 16)

    def step(carry):
        r, _ = carry
        pltpu.sync_copy(s_hbm.at[r], row_v)
        jlo = (r // BATCH) * BATCH + 1
        rv = jnp.full((16,), r, jnp.int32)
        gk = plsc.load_gather(gids_v, [rv])

        @plsc.parallel_loop(0, NELEM, step=16, unroll=8)
        def _pass_a(base):
            sv = row_v[pl.ds(base, 16)]
            jv = base + iota
            m = (sv >= COS_THR) & (jv >= jlo) & (jv < N)
            g = gids_v[pl.ds(base, 16)]
            plsc.store_scatter(mark_v, [g], rv, mask=m)

        @plsc.parallel_loop(0, NELEM, step=16, unroll=8,
                            carry=jnp.zeros((16,), jnp.int32))
        def acc(base, a):
            g = gids_v[pl.ds(base, 16)]
            t = plsc.load_gather(mark_v, [g])
            ng = jnp.where(t == r, gk, g)
            gids_v[pl.ds(base, 16)] = ng
            return jnp.where(ng != gk, jnp.int32(1), a)
        return r + 1, jnp.max(acc) == 0

    def cond(carry):
        r, done = carry
        return jnp.logical_and(r < r_stop, jnp.logical_not(done))

    return lax.while_loop(cond, step, (r_start, jnp.bool_(False)))


def _sc_head_body(shead_hbm, gids_out, mark_out, state_out,
                  gids_v, mark_v, row_v, state_v):
    cid = lax.axis_index("c")
    sid = lax.axis_index("s")

    @pl.when(jnp.logical_and(cid == 0, sid == 0))
    def _():
        iota = lax.iota(jnp.int32, 16)

        @plsc.parallel_loop(0, NELEM, step=16, unroll=8)
        def _init_g(base):
            g = base + iota
            gids_v[pl.ds(base, 16)] = jnp.where(g < N, g, 0)

        @plsc.parallel_loop(0, NPAD, step=16, unroll=8)
        def _init_m(base):
            mark_v[pl.ds(base, 16)] = jnp.full((16,), -1, jnp.int32)

        r_f, done_f = _merge_steps(shead_hbm, row_v, gids_v, mark_v,
                                   jnp.int32(0), jnp.int32(HEAD))

        done_i = jnp.where(done_f, jnp.int32(1), jnp.int32(0))
        state_v[...] = jnp.where(iota == 0, r_f,
                                 jnp.where(iota == 1, done_i, 0))
        pltpu.sync_copy(gids_v, gids_out)
        pltpu.sync_copy(mark_v, mark_out)
        pltpu.sync_copy(state_v, state_out)


def _sc_resume_body(s_hbm, gids_in, mark_in, state_in, gids_out,
                    gids_v, mark_v, row_v, state_v):
    cid = lax.axis_index("c")
    sid = lax.axis_index("s")

    @pl.when(jnp.logical_and(cid == 0, sid == 0))
    def _():
        iota = lax.iota(jnp.int32, 16)
        pltpu.sync_copy(gids_in, gids_v)
        pltpu.sync_copy(mark_in, mark_v)
        pltpu.sync_copy(state_in, state_v)
        sv = state_v[...]
        r0 = jnp.max(jnp.where(iota == 0, sv, 0))
        _merge_steps(s_hbm, row_v, gids_v, mark_v, r0, jnp.int32(N))
        pltpu.sync_copy(gids_v, gids_out)


_SC_MESH = plsc.VectorSubcoreMesh(core_axis_name="c", subcore_axis_name="s")
_SC_PARAMS = pltpu.CompilerParams(needs_layout_passes=False)


def kernel(V, counts):
    v_pad = jnp.zeros((NPAD, D), jnp.float32).at[:N].set(V)
    vt_pad = v_pad.T
    counts_pad = jnp.zeros((1, NPAD), jnp.int32).at[0, :N].set(counts)

    s_head, scores2d = pl.pallas_call(
        _tc_scores_body,
        grid=(GRID,),
        in_specs=[
            pl.BlockSpec((ROWBLK, D), lambda i: (i, 0)),
            pl.BlockSpec((D, NPAD), lambda i: (0, 0)),
            pl.BlockSpec((1, NPAD), lambda i: (0, 0)),
        ],
        out_specs=[
            pl.BlockSpec((ROWBLK, NPAD),
                         lambda i: (jnp.minimum(i, HEADBLKS - 1), 0)),
            pl.BlockSpec((1, 1, ROWBLK), lambda i: (i, 0, 0)),
        ],
        out_shape=[
            jax.ShapeDtypeStruct((HEAD, NPAD), jnp.float32),
            jax.ShapeDtypeStruct((GRID, 1, ROWBLK), jnp.float32),
        ],
    )(v_pad, vt_pad, counts_pad)

    gids_h, mark_h, state_h = pl.kernel(
        _sc_head_body,
        out_type=[
            jax.ShapeDtypeStruct((NELEM,), jnp.int32),
            jax.ShapeDtypeStruct((NPAD,), jnp.int32),
            jax.ShapeDtypeStruct((16,), jnp.int32),
        ],
        mesh=_SC_MESH,
        compiler_params=_SC_PARAMS,
        scratch_types=[
            pltpu.VMEM((NELEM,), jnp.int32),
            pltpu.VMEM((NPAD,), jnp.int32),
            pltpu.VMEM((NPAD,), jnp.float32),
            pltpu.VMEM((16,), jnp.int32),
        ],
    )(s_head)

    def finished(gids_h, mark_h, state_h):
        return gids_h[:N]

    def fallback(gids_h, mark_h, state_h):
        s_full = pl.pallas_call(
            _tc_full_s_body,
            grid=(GRID,),
            in_specs=[
                pl.BlockSpec((ROWBLK, D), lambda i: (i, 0)),
                pl.BlockSpec((D, NPAD), lambda i: (0, 0)),
            ],
            out_specs=pl.BlockSpec((ROWBLK, NPAD), lambda i: (i, 0)),
            out_shape=jax.ShapeDtypeStruct((NPAD, NPAD), jnp.float32),
        )(v_pad, vt_pad)
        gids_f = pl.kernel(
            _sc_resume_body,
            out_type=jax.ShapeDtypeStruct((NELEM,), jnp.int32),
            mesh=_SC_MESH,
            compiler_params=_SC_PARAMS,
            scratch_types=[
                pltpu.VMEM((NELEM,), jnp.int32),
                pltpu.VMEM((NPAD,), jnp.int32),
                pltpu.VMEM((NPAD,), jnp.float32),
                pltpu.VMEM((16,), jnp.int32),
            ],
        )(s_full, gids_h, mark_h, state_h)
        return gids_f[:N]

    gids = lax.cond(state_h[1] == 1, finished, fallback,
                    gids_h, mark_h, state_h)
    return (gids, scores2d.reshape(NPAD)[:N])

# --- scband reference (transcript-rebuilt; emitter-appended) ---
"""Pipeline reference for scband-embeddings-62440234549511 (READ-ONLY COPY).

The authoritative reference and input builder live on the scoring server;
editing this copy changes nothing except your own understanding.
"""

import jax, jax.numpy as jnp
import numpy as np

N = 5000
D = 32
BATCH_SIZE = 64
THRESHOLD = 0.5

def weighting_function(counts):
    # log-count weighting, a standard choice for string-frequency weights
    return jnp.log1p(counts.astype(jnp.float32))

def score_to_cos(score):
    # score_model.score_to_cos: maps match score in [0,1] to cosine in [-1,1]
    return 2.0 * score - 1.0

def setup_inputs(seed: int = 0) -> dict:
    key = jax.random.key(seed)
    k1, k2 = jax.random.split(key)
    V = jax.random.normal(k1, (N, D), dtype=jnp.float32)
    V = V / (jnp.linalg.norm(V, axis=1, keepdims=True) + 1e-8)
    counts = jax.random.randint(k2, (N,), 0, 1000, dtype=jnp.int32)
    return {"V": V, "counts": counts}

def reference(V, counts):
    # Faithful translation of Embeddings._fast_unite_similar (the core of
    # unite_similar with default args): batched pairwise cosine similarity,
    # thresholded, followed by greedy transitive group uniting (NMS-like
    # suppression of already-grouped strings).
    w = weighting_function(counts)
    cos_threshold = score_to_cos(THRESHOLD)
    group_ids = jnp.arange(N, dtype=jnp.int32)
    idx = jnp.arange(N)
    scores_chunks = []
    for batch_start in range(0, N, BATCH_SIZE):
        batch_end = min(batch_start + BATCH_SIZE, N)
        Vi = V[batch_start:batch_end]
        S = Vi @ V.T  # [b, N] cosine similarities (V rows are unit-normalized)
        mask = (S >= cos_threshold).astype(jnp.float32)
        # differentiable summary: count-weighted sum of above-threshold sims
        scores_chunks.append((mask * S * w[None, :]).sum(axis=1))
        # greedy uniting over the strictly-upper slice, as in the torch code
        j_mask = idx >= (batch_start + 1)

        def unite_row(k, gids, S=S, batch_start=batch_start, j_mask=j_mask):
            gk = gids[batch_start + k]
            matched = (S[k] >= cos_threshold) & (gids != gk) & j_mask
            matched_group_mark = jnp.zeros(N, dtype=bool).at[gids].max(matched)
            ids_to_group = matched_group_mark[gids]
            return jnp.where(ids_to_group, gk, gids)

        group_ids = jax.lax.fori_loop(0, batch_end - batch_start, unite_row, group_ids)
    scores = jnp.concatenate(scores_chunks, axis=0)
    return (group_ids, scores)

if __name__ == "__main__":
    import jax
    _d = setup_inputs()
    print(jax.jit(kernel)(*tuple(_d.values())))

</pallas_src>

<mosaic_0001>
#map = affine_map<(d0, d1) -> (0, 0)>
#map1 = affine_map<(d0, d1) -> (0)>
module attributes {stable_mosaic.version = 14 : i64} {
  func.func @_sc_resume_body(%arg0: i32, %arg1: i32, %arg2: memref<5120x5120xf32, #tpu.memory_space<hbm>>, %arg3: memref<5008xi32, #tpu.memory_space<hbm>>, %arg4: memref<5120xi32, #tpu.memory_space<hbm>>, %arg5: memref<16xi32, #tpu.memory_space<hbm>>, %arg6: memref<5008xi32, #tpu.memory_space<hbm>>, %arg7: memref<5008xi32, #tpu.memory_space<vmem>>, %arg8: memref<5120xi32, #tpu.memory_space<vmem>>, %arg9: memref<5120xf32, #tpu.memory_space<vmem>>, %arg10: memref<16xi32, #tpu.memory_space<vmem>>) attributes {dimension_semantics = [#tpu.dimension_semantics<core_parallel>, #tpu.dimension_semantics<subcore_parallel>], iteration_bounds = array<i64: 2, 16>, scalar_prefetch = 0 : i64, scratch_operands = 4 : i64, tpu.core_type = #tpu.core_type<sc_vector_subcore>, window_params = [{transform_indices = #map}, {transform_indices = #map1}, {transform_indices = #map1}, {transform_indices = #map1}, {transform_indices = #map1}]} {
    %eq3A = arith.constant 0 : i32
    %eq3A_0 = arith.cmpi eq, %arg0, %eq3A : i32
    %eq3A_1 = arith.constant 0 : i32
    %eq3A_2 = arith.cmpi eq, %arg1, %eq3A_1 : i32
    %and3A = arith.andi %eq3A_0, %eq3A_2 : i1
    %convert_element_type3A = arith.extui %and3A : i1 to i32
    %cond3A = arith.constant 0 : i32
    %cond3A_3 = arith.cmpi ne, %convert_element_type3A, %cond3A : i32
    scf.if %cond3A_3 {
      %iota3A = tpu.iota {dimensions = array<i32: 0>} : vector<16xi32>
      "tpu.region"() ({
        %run_scoped3A = tpu.sem_alloc : memref<!tpu.dma_semaphore, #tpu.memory_space<semaphore_mem>>
        tpu.enqueue_dma source(%arg3 : memref<5008xi32, #tpu.memory_space<hbm>>) target(%arg7 : memref<5008xi32, #tpu.memory_space<vmem>>) target_semaphore(%run_scoped3A : memref<!tpu.dma_semaphore, #tpu.memory_space<semaphore_mem>>)
        tpu.wait_dma2 semaphore(%run_scoped3A : memref<!tpu.dma_semaphore, #tpu.memory_space<semaphore_mem>>) src(%arg3 : memref<5008xi32, #tpu.memory_space<hbm>>) dst(%arg7 : memref<5008xi32, #tpu.memory_space<vmem>>)
        tpu.yield
      }) : () -> ()
      "tpu.region"() ({
        %run_scoped3A = tpu.sem_alloc : memref<!tpu.dma_semaphore, #tpu.memory_space<semaphore_mem>>
        tpu.enqueue_dma source(%arg4 : memref<5120xi32, #tpu.memory_space<hbm>>) target(%arg8 : memref<5120xi32, #tpu.memory_space<vmem>>) target_semaphore(%run_scoped3A : memref<!tpu.dma_semaphore, #tpu.memory_space<semaphore_mem>>)
        tpu.wait_dma2 semaphore(%run_scoped3A : memref<!tpu.dma_semaphore, #tpu.memory_space<semaphore_mem>>) src(%arg4 : memref<5120xi32, #tpu.memory_space<hbm>>) dst(%arg8 : memref<5120xi32, #tpu.memory_space<vmem>>)
        tpu.yield
      }) : () -> ()
      "tpu.region"() ({
        %run_scoped3A = tpu.sem_alloc : memref<!tpu.dma_semaphore, #tpu.memory_space<semaphore_mem>>
        tpu.enqueue_dma source(%arg5 : memref<16xi32, #tpu.memory_space<hbm>>) target(%arg10 : memref<16xi32, #tpu.memory_space<vmem>>) target_semaphore(%run_scoped3A : memref<!tpu.dma_semaphore, #tpu.memory_space<semaphore_mem>>)
        tpu.wait_dma2 semaphore(%run_scoped3A : memref<!tpu.dma_semaphore, #tpu.memory_space<semaphore_mem>>) src(%arg5 : memref<16xi32, #tpu.memory_space<hbm>>) dst(%arg10 : memref<16xi32, #tpu.memory_space<vmem>>)
        tpu.yield
      }) : () -> ()
      %get3A = arith.constant 0 : index
      %get3A_4 = tpu.vector_load %arg10[%get3A] {strides = array<i32>} : memref<16xi32, #tpu.memory_space<vmem>>, vector<16xi32>,
      %eq3A_5 = arith.constant 0 : i32
      %eq3A_6 = vector.broadcast %eq3A_5 : i32 to vector<16xi32>
      %eq3A_7 = arith.cmpi eq, %iota3A, %eq3A_6 : vector<16xi32>
      %jit3A = arith.constant 0 : i32
      %broadcast_in_dim3A = vector.broadcast %jit3A : i32 to vector<16xi32>
      %select_n3A = arith.select %eq3A_7, %get3A_4, %broadcast_in_dim3A : vector<16xi1>, vector<16xi32>
      %reduce_max3A = arith.constant true
      %reduce_max3A_8 = vector.broadcast %reduce_max3A : i1 to vector<16xi1>
      %reduce_max3A_9 = arith.constant -2147483648 : i32
      %reduce_max3A_10 = vector.broadcast %reduce_max3A_9 : i32 to vector<16xi32>
      %reduce_max3A_11 = arith.xori %select_n3A, %reduce_max3A_10 : vector<16xi32>
      %reduce_max3A_12 = tpu.scan <max>, %reduce_max3A_11 masked %reduce_max3A_8 : vector<16xi32>, vector<16xi1> -> vector<16xi32>
      %reduce_max3A_13 = arith.xori %reduce_max3A_12, %reduce_max3A_10 : vector<16xi32>
      %reduce_max3A_14 = vector.extract %reduce_max3A_13[15] : i32 from vector<16xi32>
      %iota3A_15 = tpu.iota {dimensions = array<i32: 0>} : vector<16xi32>
      %while3A = arith.constant 5000 : i32
      %while3A_16 = arith.constant false
      %while3A_17:2 = scf.while (%while3A_18 = %reduce_max3A_14, %while3A_19 = %while3A_16) : (i32, i1) -> (i32, i1) {
        %lt3A = arith.cmpi slt, %while3A_18, %while3A : i32
        %not3A = arith.constant true
        %not3A_20 = arith.xori %while3A_19, %not3A : i1
        %and3A_21 = arith.andi %lt3A, %not3A_20 : i1
        scf.condition(%and3A_21) %while3A_18, %while3A_19 : i32, i1
      } do {
      ^bb0(%while3A_18: i32, %while3A_19: i1):
        "tpu.region"() ({
          %run_scoped3A = tpu.sem_alloc : memref<!tpu.dma_semaphore, #tpu.memory_space<semaphore_mem>>
          %dma_start3A = arith.constant 0 : i32
          %dma_start3A_62 = tpu.memref_slice %arg2[%while3A_18, %dma_start3A] : memref<5120x5120xf32, #tpu.memory_space<hbm>> -> memref<1x5120xf32, #tpu.memory_space<hbm>>
          %dma_start3A_63 = tpu.memref_squeeze %dma_start3A_62 : memref<1x5120xf32, #tpu.memory_space<hbm>> -> memref<5120xf32, #tpu.memory_space<hbm>>
          %dma_start3A_64 = arith.constant 0 : i32
          %dma_start3A_65 = tpu.memref_slice %arg2[%while3A_18, %dma_start3A_64] : memref<5120x5120xf32, #tpu.memory_space<hbm>> -> memref<1x5120xf32, #tpu.memory_space<hbm>>
          %dma_start3A_66 = tpu.memref_squeeze %dma_start3A_65 : memref<1x5120xf32, #tpu.memory_space<hbm>> -> memref<5120xf32, #tpu.memory_space<hbm>>
          tpu.enqueue_dma source(%dma_start3A_66 : memref<5120xf32, #tpu.memory_space<hbm>>) target(%arg9 : memref<5120xf32, #tpu.memory_space<vmem>>) target_semaphore(%run_scoped3A : memref<!tpu.dma_semaphore, #tpu.memory_space<semaphore_mem>>)
          %dma_wait3A = arith.constant 0 : i32
          %dma_wait3A_67 = tpu.memref_slice %arg2[%while3A_18, %dma_wait3A] : memref<5120x5120xf32, #tpu.memory_space<hbm>> -> memref<1x5120xf32, #tpu.memory_space<hbm>>
          %dma_wait3A_68 = tpu.memref_squeeze %dma_wait3A_67 : memref<1x5120xf32, #tpu.memory_space<hbm>> -> memref<5120xf32, #tpu.memory_space<hbm>>
          %dma_wait3A_69 = arith.constant 0 : i32
          %dma_wait3A_70 = tpu.memref_slice %arg2[%while3A_18, %dma_wait3A_69] : memref<5120x5120xf32, #tpu.memory_space<hbm>> -> memref<1x5120xf32, #tpu.memory_space<hbm>>
          %dma_wait3A_71 = tpu.memref_squeeze %dma_wait3A_70 : memref<1x5120xf32, #tpu.memory_space<hbm>> -> memref<5120xf32, #tpu.memory_space<hbm>>
          tpu.wait_dma2 semaphore(%run_scoped3A : memref<!tpu.dma_semaphore, #tpu.memory_space<semaphore_mem>>) src(%dma_wait3A_71 : memref<5120xf32, #tpu.memory_space<hbm>>) dst(%arg9 : memref<5120xf32, #tpu.memory_space<vmem>>)
          tpu.yield
        }) : () -> ()
        %jit3A_20 = arith.constant 64 : i32
        %div3A = arith.divsi %while3A_18, %jit3A_20 : i32
        %sign3A = arith.constant 0 : i32
        %sign3A_21 = arith.cmpi sgt, %while3A_18, %sign3A : i32
        %sign3A_22 = arith.extui %sign3A_21 : i1 to i32
        %sign3A_23 = arith.constant 0 : i32
        %sign3A_24 = arith.cmpi slt, %while3A_18, %sign3A_23 : i32
        %sign3A_25 = arith.extui %sign3A_24 : i1 to i32
        %sign3A_26 = arith.subi %sign3A_22, %sign3A_25 : i32
        %sign3A_27 = arith.constant 0 : i32
        %sign3A_28 = arith.cmpi sgt, %jit3A_20, %sign3A_27 : i32
        %sign3A_29 = arith.extui %sign3A_28 : i1 to i32
        %sign3A_30 = arith.constant 0 : i32
        %sign3A_31 = arith.cmpi slt, %jit3A_20, %sign3A_30 : i32
        %sign3A_32 = arith.extui %sign3A_31 : i1 to i32
        %sign3A_33 = arith.subi %sign3A_29, %sign3A_32 : i32
        %ne3A = arith.cmpi ne, %sign3A_26, %sign3A_33 : i32
        %rem3A = arith.remsi %while3A_18, %jit3A_20 : i32
        %ne3A_34 = arith.constant 0 : i32
        %ne3A_35 = arith.cmpi ne, %rem3A, %ne3A_34 : i32
        %and3A_36 = arith.andi %ne3A, %ne3A_35 : i1
        %sub3A = arith.constant 1 : i32
        %sub3A_37 = arith.subi %div3A, %sub3A : i32
        %select_n3A_38 = arith.select %and3A_36, %sub3A_37, %div3A : i32
        %mul3A = arith.constant 64 : i32
        %mul3A_39 = arith.muli %select_n3A_38, %mul3A : i32
        %add3A = arith.constant 1 : i32
        %add3A_40 = arith.addi %mul3A_39, %add3A : i32
        %broadcast_in_dim3A_41 = vector.broadcast %while3A_18 : i32 to vector<16xi32>
        %gather3A = tpu.vector_load_idx %arg7[%broadcast_in_dim3A_41] : memref<5008xi32, #tpu.memory_space<vmem>>[vector<16xi32>], vector<16xi32>,
        %parallel_loop3A = arith.constant 0 : i32
        %parallel_loop3A_42 = arith.constant 5008 : i32
        %parallel_loop3A_43 = arith.constant 16 : i32
        scf.for %parallel_loop3A_62 = %parallel_loop3A to %parallel_loop3A_42 step %parallel_loop3A_43  : i32 {
          %parallel_loop3A_63 = arith.index_cast %parallel_loop3A_62 : i32 to index
          %parallel_loop3A_64 = tpu.vector_load %arg9[%parallel_loop3A_63] {strides = array<i32>} : memref<5120xf32, #tpu.memory_space<vmem>>, vector<16xf32>,
          %parallel_loop3A_65 = vector.broadcast %parallel_loop3A_62 : i32 to vector<16xi32>
          %parallel_loop3A_66 = arith.addi %parallel_loop3A_65, %iota3A_15 : vector<16xi32>
          %parallel_loop3A_67 = arith.constant 0.000000e+00 : f32
          %parallel_loop3A_68 = vector.broadcast %parallel_loop3A_67 : f32 to vector<16xf32>
          %parallel_loop3A_69 = arith.cmpf oge, %parallel_loop3A_64, %parallel_loop3A_68 : vector<16xf32>
          %parallel_loop3A_70 = vector.broadcast %add3A_40 : i32 to vector<16xi32>
          %parallel_loop3A_71 = arith.cmpi sge, %parallel_loop3A_66, %parallel_loop3A_70 : vector<16xi32>
          %parallel_loop3A_72 = arith.andi %parallel_loop3A_69, %parallel_loop3A_71 : vector<16xi1>
          %parallel_loop3A_73 = arith.constant 5000 : i32
          %parallel_loop3A_74 = vector.broadcast %parallel_loop3A_73 : i32 to vector<16xi32>
          %parallel_loop3A_75 = arith.cmpi slt, %parallel_loop3A_66, %parallel_loop3A_74 : vector<16xi32>
          %parallel_loop3A_76 = arith.andi %parallel_loop3A_72, %parallel_loop3A_75 : vector<16xi1>
          %parallel_loop3A_77 = arith.index_cast %parallel_loop3A_62 : i32 to index
          %parallel_loop3A_78 = tpu.vector_load %arg7[%parallel_loop3A_77] {strides = array<i32>} : memref<5008xi32, #tpu.memory_space<vmem>>, vector<16xi32>,
          tpu.vector_store_idx %arg8[%parallel_loop3A_78], %broadcast_in_dim3A_41 masked %parallel_loop3A_76 : memref<5120xi32, #tpu.memory_space<vmem>>[vector<16xi32>], vector<16xi32>, vector<16xi1>
        } {sc.loop_unroll_factor = 8 : i64, sc.parallel_access}
        %broadcast_in_dim3A_44 = arith.constant 0 : i32
        %broadcast_in_dim3A_45 = vector.broadcast %broadcast_in_dim3A_44 : i32 to vector<16xi32>
        %parallel_loop3A_46 = arith.constant 0 : i32
        %parallel_loop3A_47 = arith.constant 5008 : i32
        %parallel_loop3A_48 = arith.constant 16 : i32
        %parallel_loop3A_49 = scf.for %parallel_loop3A_62 = %parallel_loop3A_46 to %parallel_loop3A_47 step %parallel_loop3A_48 iter_args(%parallel_loop3A_63 = %broadcast_in_dim3A_45) -> (vector<16xi32>)  : i32 {
          %parallel_loop3A_64 = arith.index_cast %parallel_loop3A_62 : i32 to index
          %parallel_loop3A_65 = tpu.vector_load %arg7[%parallel_loop3A_64] {strides = array<i32>} : memref<5008xi32, #tpu.memory_space<vmem>>, vector<16xi32>,
          %parallel_loop3A_66 = tpu.vector_load_idx %arg8[%parallel_loop3A_65] : memref<5120xi32, #tpu.memory_space<vmem>>[vector<16xi32>], vector<16xi32>,
          %parallel_loop3A_67 = vector.broadcast %while3A_18 : i32 to vector<16xi32>
          %parallel_loop3A_68 = arith.cmpi eq, %parallel_loop3A_66, %parallel_loop3A_67 : vector<16xi32>
          %parallel_loop3A_69 = arith.select %parallel_loop3A_68, %gather3A, %parallel_loop3A_65 : vector<16xi1>, vector<16xi32>
          %parallel_loop3A_70 = arith.index_cast %parallel_loop3A_62 : i32 to index
          %parallel_loop3A_71 = tpu.vector_load %arg7[%parallel_loop3A_70] {strides = array<i32>} : memref<5008xi32, #tpu.memory_space<vmem>>, vector<16xi32>,
          tpu.vector_store %arg7[%parallel_loop3A_70], %parallel_loop3A_69 {strides = array<i32>} : memref<5008xi32, #tpu.memory_space<vmem>>, vector<16xi32>,
          %parallel_loop3A_72 = arith.cmpi ne, %parallel_loop3A_69, %gather3A : vector<16xi32>
          %parallel_loop3A_73 = arith.constant 1 : i32
          %parallel_loop3A_74 = vector.broadcast %parallel_loop3A_73 : i32 to vector<16xi32>
          %parallel_loop3A_75 = arith.select %parallel_loop3A_72, %parallel_loop3A_74, %parallel_loop3A_63 : vector<16xi1>, vector<16xi32>
          scf.yield %parallel_loop3A_75 : vector<16xi32>
        } {sc.loop_unroll_factor = 8 : i64, sc.parallel_access}
        %add3A_50 = arith.constant 1 : i32
        %add3A_51 = arith.addi %while3A_18, %add3A_50 : i32
        %reduce_max3A_52 = arith.constant true
        %reduce_max3A_53 = vector.broadcast %reduce_max3A_52 : i1 to vector<16xi1>
        %reduce_max3A_54 = arith.constant -2147483648 : i32
        %reduce_max3A_55 = vector.broadcast %reduce_max3A_54 : i32 to vector<16xi32>
        %reduce_max3A_56 = arith.xori %parallel_loop3A_49, %reduce_max3A_55 : vector<16xi32>
        %reduce_max3A_57 = tpu.scan <max>, %reduce_max3A_56 masked %reduce_max3A_53 : vector<16xi32>, vector<16xi1> -> vector<16xi32>
        %reduce_max3A_58 = arith.xori %reduce_max3A_57, %reduce_max3A_55 : vector<16xi32>
        %reduce_max3A_59 = vector.extract %reduce_max3A_58[15] : i32 from vector<16xi32>
        %eq3A_60 = arith.constant 0 : i32
        %eq3A_61 = arith.cmpi eq, %reduce_max3A_59, %eq3A_60 : i32
        scf.yield %add3A_51, %eq3A_61 : i32, i1
      }
      "tpu.region"() ({
        %run_scoped3A = tpu.sem_alloc : memref<!tpu.dma_semaphore, #tpu.memory_space<semaphore_mem>>
        tpu.enqueue_dma source(%arg7 : memref<5008xi32, #tpu.memory_space<vmem>>) target(%arg6 : memref<5008xi32, #tpu.memory_space<hbm>>) target_semaphore(%run_scoped3A : memref<!tpu.dma_semaphore, #tpu.memory_space<semaphore_mem>>)
        tpu.wait_dma2 semaphore(%run_scoped3A : memref<!tpu.dma_semaphore, #tpu.memory_space<semaphore_mem>>) src(%arg7 : memref<5008xi32, #tpu.memory_space<vmem>>) dst(%arg6 : memref<5008xi32, #tpu.memory_space<hbm>>)
        tpu.yield
      }) : () -> ()
    } else {
    }
    return
  }
}

#map = affine_map<(d0, d1) -> (0, 0)>
#map1 = affine_map<(d0, d1) -> (0)>
module attributes {stable_mosaic.version = 14 : i64} {
  func.func @_sc_head_body(%arg0: i32, %arg1: i32, %arg2: memref<256x5120xf32, #tpu.memory_space<hbm>>, %arg3: memref<5008xi32, #tpu.memory_space<hbm>>, %arg4: memref<5120xi32, #tpu.memory_space<hbm>>, %arg5: memref<16xi32, #tpu.memory_space<hbm>>, %arg6: memref<5008xi32, #tpu.memory_space<vmem>>, %arg7: memref<5120xi32, #tpu.memory_space<vmem>>, %arg8: memref<5120xf32, #tpu.memory_space<vmem>>, %arg9: memref<16xi32, #tpu.memory_space<vmem>>) attributes {dimension_semantics = [#tpu.dimension_semantics<core_parallel>, #tpu.dimension_semantics<subcore_parallel>], iteration_bounds = array<i64: 2, 16>, scalar_prefetch = 0 : i64, scratch_operands = 4 : i64, tpu.core_type = #tpu.core_type<sc_vector_subcore>, window_params = [{transform_indices = #map}, {transform_indices = #map1}, {transform_indices = #map1}, {transform_indices = #map1}]} {
    %eq3A = arith.constant 0 : i32
    %eq3A_0 = arith.cmpi eq, %arg0, %eq3A : i32
    %eq3A_1 = arith.constant 0 : i32
    %eq3A_2 = arith.cmpi eq, %arg1, %eq3A_1 : i32
    %and3A = arith.andi %eq3A_0, %eq3A_2 : i1
    %convert_element_type3A = arith.extui %and3A : i1 to i32
    %cond3A = arith.constant 0 : i32
    %cond3A_3 = arith.cmpi ne, %convert_element_type3A, %cond3A : i32
    scf.if %cond3A_3 {
      %iota3A = tpu.iota {dimensions = array<i32: 0>} : vector<16xi32>
      %parallel_loop3A = arith.constant 0 : i32
      %parallel_loop3A_4 = arith.constant 5008 : i32
      %parallel_loop3A_5 = arith.constant 16 : i32
      scf.for %parallel_loop3A_26 = %parallel_loop3A to %parallel_loop3A_4 step %parallel_loop3A_5  : i32 {
        %parallel_loop3A_27 = vector.broadcast %parallel_loop3A_26 : i32 to vector<16xi32>
        %parallel_loop3A_28 = arith.addi %parallel_loop3A_27, %iota3A : vector<16xi32>
        %parallel_loop3A_29 = arith.constant 5000 : i32
        %parallel_loop3A_30 = vector.broadcast %parallel_loop3A_29 : i32 to vector<16xi32>
        %parallel_loop3A_31 = arith.cmpi slt, %parallel_loop3A_28, %parallel_loop3A_30 : vector<16xi32>
        %parallel_loop3A_32 = arith.constant 0 : i32
        %parallel_loop3A_33 = vector.broadcast %parallel_loop3A_32 : i32 to vector<16xi32>
        %parallel_loop3A_34 = arith.select %parallel_loop3A_31, %parallel_loop3A_28, %parallel_loop3A_33 : vector<16xi1>, vector<16xi32>
        %parallel_loop3A_35 = arith.index_cast %parallel_loop3A_26 : i32 to index
        %parallel_loop3A_36 = tpu.vector_load %arg6[%parallel_loop3A_35] {strides = array<i32>} : memref<5008xi32, #tpu.memory_space<vmem>>, vector<16xi32>,
        tpu.vector_store %arg6[%parallel_loop3A_35], %parallel_loop3A_34 {strides = array<i32>} : memref<5008xi32, #tpu.memory_space<vmem>>, vector<16xi32>,
      } {sc.loop_unroll_factor = 8 : i64, sc.parallel_access}
      %parallel_loop3A_6 = arith.constant 0 : i32
      %parallel_loop3A_7 = arith.constant 5120 : i32
      %parallel_loop3A_8 = arith.constant 16 : i32
      scf.for %parallel_loop3A_26 = %parallel_loop3A_6 to %parallel_loop3A_7 step %parallel_loop3A_8  : i32 {
        %parallel_loop3A_27 = arith.constant -1 : i32
        %parallel_loop3A_28 = vector.broadcast %parallel_loop3A_27 : i32 to vector<16xi32>
        %parallel_loop3A_29 = arith.index_cast %parallel_loop3A_26 : i32 to index
        %parallel_loop3A_30 = tpu.vector_load %arg7[%parallel_loop3A_29] {strides = array<i32>} : memref<5120xi32, #tpu.memory_space<vmem>>, vector<16xi32>,
        tpu.vector_store %arg7[%parallel_loop3A_29], %parallel_loop3A_28 {strides = array<i32>} : memref<5120xi32, #tpu.memory_space<vmem>>, vector<16xi32>,
      } {sc.loop_unroll_factor = 8 : i64, sc.parallel_access}
      %iota3A_9 = tpu.iota {dimensions = array<i32: 0>} : vector<16xi32>
      %while3A = arith.constant 256 : i32
      %while3A_10 = arith.constant 0 : i32
      %while3A_11 = arith.constant false
      %while3A_12:2 = scf.while (%while3A_26 = %while3A_10, %while3A_27 = %while3A_11) : (i32, i1) -> (i32, i1) {
        %lt3A = arith.cmpi slt, %while3A_26, %while3A : i32
        %not3A = arith.constant true
        %not3A_28 = arith.xori %while3A_27, %not3A : i1
        %and3A_29 = arith.andi %lt3A, %not3A_28 : i1
        scf.condition(%and3A_29) %while3A_26, %while3A_27 : i32, i1
      } do {
      ^bb0(%while3A_26: i32, %while3A_27: i1):
        "tpu.region"() ({
          %run_scoped3A = tpu.sem_alloc : memref<!tpu.dma_semaphore, #tpu.memory_space<semaphore_mem>>
          %dma_start3A = arith.constant 0 : i32
          %dma_start3A_70 = tpu.memref_slice %arg2[%while3A_26, %dma_start3A] : memref<256x5120xf32, #tpu.memory_space<hbm>> -> memref<1x5120xf32, #tpu.memory_space<hbm>>
          %dma_start3A_71 = tpu.memref_squeeze %dma_start3A_70 : memref<1x5120xf32, #tpu.memory_space<hbm>> -> memref<5120xf32, #tpu.memory_space<hbm>>
          %dma_start3A_72 = arith.constant 0 : i32
          %dma_start3A_73 = tpu.memref_slice %arg2[%while3A_26, %dma_start3A_72] : memref<256x5120xf32, #tpu.memory_space<hbm>> -> memref<1x5120xf32, #tpu.memory_space<hbm>>
          %dma_start3A_74 = tpu.memref_squeeze %dma_start3A_73 : memref<1x5120xf32, #tpu.memory_space<hbm>> -> memref<5120xf32, #tpu.memory_space<hbm>>
          tpu.enqueue_dma source(%dma_start3A_74 : memref<5120xf32, #tpu.memory_space<hbm>>) target(%arg8 : memref<5120xf32, #tpu.memory_space<vmem>>) target_semaphore(%run_scoped3A : memref<!tpu.dma_semaphore, #tpu.memory_space<semaphore_mem>>)
          %dma_wait3A = arith.constant 0 : i32
          %dma_wait3A_75 = tpu.memref_slice %arg2[%while3A_26, %dma_wait3A] : memref<256x5120xf32, #tpu.memory_space<hbm>> -> memref<1x5120xf32, #tpu.memory_space<hbm>>
          %dma_wait3A_76 = tpu.memref_squeeze %dma_wait3A_75 : memref<1x5120xf32, #tpu.memory_space<hbm>> -> memref<5120xf32, #tpu.memory_space<hbm>>
          %dma_wait3A_77 = arith.constant 0 : i32
          %dma_wait3A_78 = tpu.memref_slice %arg2[%while3A_26, %dma_wait3A_77] : memref<256x5120xf32, #tpu.memory_space<hbm>> -> memref<1x5120xf32, #tpu.memory_space<hbm>>
          %dma_wait3A_79 = tpu.memref_squeeze %dma_wait3A_78 : memref<1x5120xf32, #tpu.memory_space<hbm>> -> memref<5120xf32, #tpu.memory_space<hbm>>
          tpu.wait_dma2 semaphore(%run_scoped3A : memref<!tpu.dma_semaphore, #tpu.memory_space<semaphore_mem>>) src(%dma_wait3A_79 : memref<5120xf32, #tpu.memory_space<hbm>>) dst(%arg8 : memref<5120xf32, #tpu.memory_space<vmem>>)
          tpu.yield
        }) : () -> ()
        %jit3A_28 = arith.constant 64 : i32
        %div3A = arith.divsi %while3A_26, %jit3A_28 : i32
        %sign3A = arith.constant 0 : i32
        %sign3A_29 = arith.cmpi sgt, %while3A_26, %sign3A : i32
        %sign3A_30 = arith.extui %sign3A_29 : i1 to i32
        %sign3A_31 = arith.constant 0 : i32
        %sign3A_32 = arith.cmpi slt, %while3A_26, %sign3A_31 : i32
        %sign3A_33 = arith.extui %sign3A_32 : i1 to i32
        %sign3A_34 = arith.subi %sign3A_30, %sign3A_33 : i32
        %sign3A_35 = arith.constant 0 : i32
        %sign3A_36 = arith.cmpi sgt, %jit3A_28, %sign3A_35 : i32
        %sign3A_37 = arith.extui %sign3A_36 : i1 to i32
        %sign3A_38 = arith.constant 0 : i32
        %sign3A_39 = arith.cmpi slt, %jit3A_28, %sign3A_38 : i32
        %sign3A_40 = arith.extui %sign3A_39 : i1 to i32
        %sign3A_41 = arith.subi %sign3A_37, %sign3A_40 : i32
        %ne3A = arith.cmpi ne, %sign3A_34, %sign3A_41 : i32
        %rem3A = arith.remsi %while3A_26, %jit3A_28 : i32
        %ne3A_42 = arith.constant 0 : i32
        %ne3A_43 = arith.cmpi ne, %rem3A, %ne3A_42 : i32
        %and3A_44 = arith.andi %ne3A, %ne3A_43 : i1
        %sub3A = arith.constant 1 : i32
        %sub3A_45 = arith.subi %div3A, %sub3A : i32
        %select_n3A_46 = arith.select %and3A_44, %sub3A_45, %div3A : i32
        %mul3A = arith.constant 64 : i32
        %mul3A_47 = arith.muli %select_n3A_46, %mul3A : i32
        %add3A = arith.constant 1 : i32
        %add3A_48 = arith.addi %mul3A_47, %add3A : i32
        %broadcast_in_dim3A_49 = vector.broadcast %while3A_26 : i32 to vector<16xi32>
        %gather3A = tpu.vector_load_idx %arg6[%broadcast_in_dim3A_49] : memref<5008xi32, #tpu.memory_space<vmem>>[vector<16xi32>], vector<16xi32>,
        %parallel_loop3A_50 = arith.constant 0 : i32
        %parallel_loop3A_51 = arith.constant 5008 : i32
        %parallel_loop3A_52 = arith.constant 16 : i32
        scf.for %parallel_loop3A_70 = %parallel_loop3A_50 to %parallel_loop3A_51 step %parallel_loop3A_52  : i32 {
          %parallel_loop3A_71 = arith.index_cast %parallel_loop3A_70 : i32 to index
          %parallel_loop3A_72 = tpu.vector_load %arg8[%parallel_loop3A_71] {strides = array<i32>} : memref<5120xf32, #tpu.memory_space<vmem>>, vector<16xf32>,
          %parallel_loop3A_73 = vector.broadcast %parallel_loop3A_70 : i32 to vector<16xi32>
          %parallel_loop3A_74 = arith.addi %parallel_loop3A_73, %iota3A_9 : vector<16xi32>
          %parallel_loop3A_75 = arith.constant 0.000000e+00 : f32
          %parallel_loop3A_76 = vector.broadcast %parallel_loop3A_75 : f32 to vector<16xf32>
          %parallel_loop3A_77 = arith.cmpf oge, %parallel_loop3A_72, %parallel_loop3A_76 : vector<16xf32>
          %parallel_loop3A_78 = vector.broadcast %add3A_48 : i32 to vector<16xi32>
          %parallel_loop3A_79 = arith.cmpi sge, %parallel_loop3A_74, %parallel_loop3A_78 : vector<16xi32>
          %parallel_loop3A_80 = arith.andi %parallel_loop3A_77, %parallel_loop3A_79 : vector<16xi1>
          %parallel_loop3A_81 = arith.constant 5000 : i32
          %parallel_loop3A_82 = vector.broadcast %parallel_loop3A_81 : i32 to vector<16xi32>
          %parallel_loop3A_83 = arith.cmpi slt, %parallel_loop3A_74, %parallel_loop3A_82 : vector<16xi32>
          %parallel_loop3A_84 = arith.andi %parallel_loop3A_80, %parallel_loop3A_83 : vector<16xi1>
          %parallel_loop3A_85 = arith.index_cast %parallel_loop3A_70 : i32 to index
          %parallel_loop3A_86 = tpu.vector_load %arg6[%parallel_loop3A_85] {strides = array<i32>} : memref<5008xi32, #tpu.memory_space<vmem>>, vector<16xi32>,
          tpu.vector_store_idx %arg7[%parallel_loop3A_86], %broadcast_in_dim3A_49 masked %parallel_loop3A_84 : memref<5120xi32, #tpu.memory_space<vmem>>[vector<16xi32>], vector<16xi32>, vector<16xi1>
        } {sc.loop_unroll_factor = 8 : i64, sc.parallel_access}
        %broadcast_in_dim3A_53 = arith.constant 0 : i32
        %broadcast_in_dim3A_54 = vector.broadcast %broadcast_in_dim3A_53 : i32 to vector<16xi32>
        %parallel_loop3A_55 = arith.constant 0 : i32
        %parallel_loop3A_56 = arith.constant 5008 : i32
        %parallel_loop3A_57 = arith.constant 16 : i32
        %parallel_loop3A_58 = scf.for %parallel_loop3A_70 = %parallel_loop3A_55 to %parallel_loop3A_56 step %parallel_loop3A_57 iter_args(%parallel_loop3A_71 = %broadcast_in_dim3A_54) -> (vector<16xi32>)  : i32 {
          %parallel_loop3A_72 = arith.index_cast %parallel_loop3A_70 : i32 to index
          %parallel_loop3A_73 = tpu.vector_load %arg6[%parallel_loop3A_72] {strides = array<i32>} : memref<5008xi32, #tpu.memory_space<vmem>>, vector<16xi32>,
          %parallel_loop3A_74 = tpu.vector_load_idx %arg7[%parallel_loop3A_73] : memref<5120xi32, #tpu.memory_space<vmem>>[vector<16xi32>], vector<16xi32>,
          %parallel_loop3A_75 = vector.broadcast %while3A_26 : i32 to vector<16xi32>
          %parallel_loop3A_76 = arith.cmpi eq, %parallel_loop3A_74, %parallel_loop3A_75 : vector<16xi32>
          %parallel_loop3A_77 = arith.select %parallel_loop3A_76, %gather3A, %parallel_loop3A_73 : vector<16xi1>, vector<16xi32>
          %parallel_loop3A_78 = arith.index_cast %parallel_loop3A_70 : i32 to index
          %parallel_loop3A_79 = tpu.vector_load %arg6[%parallel_loop3A_78] {strides = array<i32>} : memref<5008xi32, #tpu.memory_space<vmem>>, vector<16xi32>,
          tpu.vector_store %arg6[%parallel_loop3A_78], %parallel_loop3A_77 {strides = array<i32>} : memref<5008xi32, #tpu.memory_space<vmem>>, vector<16xi32>,
          %parallel_loop3A_80 = arith.cmpi ne, %parallel_loop3A_77, %gather3A : vector<16xi32>
          %parallel_loop3A_81 = arith.constant 1 : i32
          %parallel_loop3A_82 = vector.broadcast %parallel_loop3A_81 : i32 to vector<16xi32>
          %parallel_loop3A_83 = arith.select %parallel_loop3A_80, %parallel_loop3A_82, %parallel_loop3A_71 : vector<16xi1>, vector<16xi32>
          scf.yield %parallel_loop3A_83 : vector<16xi32>
        } {sc.loop_unroll_factor = 8 : i64, sc.parallel_access}
        %add3A_59 = arith.constant 1 : i32
        %add3A_60 = arith.addi %while3A_26, %add3A_59 : i32
        %reduce_max3A = arith.constant true
        %reduce_max3A_61 = vector.broadcast %reduce_max3A : i1 to vector<16xi1>
        %reduce_max3A_62 = arith.constant -2147483648 : i32
        %reduce_max3A_63 = vector.broadcast %reduce_max3A_62 : i32 to vector<16xi32>
        %reduce_max3A_64 = arith.xori %parallel_loop3A_58, %reduce_max3A_63 : vector<16xi32>
        %reduce_max3A_65 = tpu.scan <max>, %reduce_max3A_64 masked %reduce_max3A_61 : vector<16xi32>, vector<16xi1> -> vector<16xi32>
        %reduce_max3A_66 = arith.xori %reduce_max3A_65, %reduce_max3A_63 : vector<16xi32>
        %reduce_max3A_67 = vector.extract %reduce_max3A_66[15] : i32 from vector<16xi32>
        %eq3A_68 = arith.constant 0 : i32
        %eq3A_69 = arith.cmpi eq, %reduce_max3A_67, %eq3A_68 : i32
        scf.yield %add3A_60, %eq3A_69 : i32, i1
      }
      %jit3A = arith.constant 1 : i32
      %jit3A_13 = arith.constant 0 : i32
      %select_n3A = arith.select %while3A_12#1, %jit3A, %jit3A_13 : i32
      %eq3A_14 = arith.constant 0 : i32
      %eq3A_15 = vector.broadcast %eq3A_14 : i32 to vector<16xi32>
      %eq3A_16 = arith.cmpi eq, %iota3A, %eq3A_15 : vector<16xi32>
      %eq3A_17 = arith.constant 1 : i32
      %eq3A_18 = vector.broadcast %eq3A_17 : i32 to vector<16xi32>
      %eq3A_19 = arith.cmpi eq, %iota3A, %eq3A_18 : vector<16xi32>
      %jit3A_20 = arith.constant 0 : i32
      %broadcast_in_dim3A = vector.broadcast %select_n3A : i32 to vector<16xi32>
      %broadcast_in_dim3A_21 = vector.broadcast %jit3A_20 : i32 to vector<16xi32>
      %select_n3A_22 = arith.select %eq3A_19, %broadcast_in_dim3A, %broadcast_in_dim3A_21 : vector<16xi1>, vector<16xi32>
      %broadcast_in_dim3A_23 = vector.broadcast %while3A_12#0 : i32 to vector<16xi32>
      %select_n3A_24 = arith.select %eq3A_16, %broadcast_in_dim3A_23, %select_n3A_22 : vector<16xi1>, vector<16xi32>
      %swap3A = arith.constant 0 : index
      %swap3A_25 = tpu.vector_load %arg9[%swap3A] {strides = array<i32>} : memref<16xi32, #tpu.memory_space<vmem>>, vector<16xi32>,
      tpu.vector_store %arg9[%swap3A], %select_n3A_24 {strides = array<i32>} : memref<16xi32, #tpu.memory_space<vmem>>, vector<16xi32>,
      "tpu.region"() ({
        %run_scoped3A = tpu.sem_alloc : memref<!tpu.dma_semaphore, #tpu.memory_space<semaphore_mem>>
        tpu.enqueue_dma source(%arg6 : memref<5008xi32, #tpu.memory_space<vmem>>) target(%arg3 : memref<5008xi32, #tpu.memory_space<hbm>>) target_semaphore(%run_scoped3A : memref<!tpu.dma_semaphore, #tpu.memory_space<semaphore_mem>>)
        tpu.wait_dma2 semaphore(%run_scoped3A : memref<!tpu.dma_semaphore, #tpu.memory_space<semaphore_mem>>) src(%arg6 : memref<5008xi32, #tpu.memory_space<vmem>>) dst(%arg3 : memref<5008xi32, #tpu.memory_space<hbm>>)
        tpu.yield
      }) : () -> ()
      "tpu.region"() ({
        %run_scoped3A = tpu.sem_alloc : memref<!tpu.dma_semaphore, #tpu.memory_space<semaphore_mem>>
        tpu.enqueue_dma source(%arg7 : memref<5120xi32, #tpu.memory_space<vmem>>) target(%arg4 : memref<5120xi32, #tpu.memory_space<hbm>>) target_semaphore(%run_scoped3A : memref<!tpu.dma_semaphore, #tpu.memory_space<semaphore_mem>>)
        tpu.wait_dma2 semaphore(%run_scoped3A : memref<!tpu.dma_semaphore, #tpu.memory_space<semaphore_mem>>) src(%arg7 : memref<5120xi32, #tpu.memory_space<vmem>>) dst(%arg4 : memref<5120xi32, #tpu.memory_space<hbm>>)
        tpu.yield
      }) : () -> ()
      "tpu.region"() ({
        %run_scoped3A = tpu.sem_alloc : memref<!tpu.dma_semaphore, #tpu.memory_space<semaphore_mem>>
        tpu.enqueue_dma source(%arg9 : memref<16xi32, #tpu.memory_space<vmem>>) target(%arg5 : memref<16xi32, #tpu.memory_space<hbm>>) target_semaphore(%run_scoped3A : memref<!tpu.dma_semaphore, #tpu.memory_space<semaphore_mem>>)
        tpu.wait_dma2 semaphore(%run_scoped3A : memref<!tpu.dma_semaphore, #tpu.memory_space<semaphore_mem>>) src(%arg9 : memref<16xi32, #tpu.memory_space<vmem>>) dst(%arg5 : memref<16xi32, #tpu.memory_space<hbm>>)
        tpu.yield
      }) : () -> ()
    } else {
    }
    return
  }
}

module attributes {stable_mosaic.version = 14 : i64} {
  func.func @_tc_scores_body(%arg0: i32, %arg1: memref<128x32xf32, #tpu.memory_space<vmem>>, %arg2: memref<32x5120xf32, #tpu.memory_space<vmem>>, %arg3: memref<1x5120xi32, #tpu.memory_space<vmem>>, %arg4: memref<128x5120xf32, #tpu.memory_space<vmem>>, %arg5: memref<1x1x128xf32, #tpu.memory_space<vmem>>) attributes {dimension_semantics = [#tpu.dimension_semantics<arbitrary>], iteration_bounds = array<i64: 40>, scalar_prefetch = 0 : i64, scratch_operands = 0 : i64, tpu.core_type = #tpu.core_type<tc>, window_params = [{transform_indices = @transform_0, window_bounds = array<i64: 128, 32>}, {pipeline_mode = #tpu.pipeline_mode<synchronous>, transform_indices = @transform_1, window_bounds = array<i64: 32, 5120>}, {pipeline_mode = #tpu.pipeline_mode<synchronous>, transform_indices = @transform_2, window_bounds = array<i64: 1, 5120>}, {transform_indices = @transform_3, window_bounds = array<i64: 128, 5120>}, {transform_indices = @transform_4, window_bounds = array<i64: 1, 1, 128>}]} {
    %get3A = arith.constant 0 : index
    %get3A_0 = arith.constant 0 : index
    %get3A_1 = vector.load %arg1[%get3A, %get3A_0] : memref<128x32xf32, #tpu.memory_space<vmem>>, vector<128x32xf32>
    %get3A_2 = arith.constant 0 : index
    %get3A_3 = arith.constant 0 : index
    %get3A_4 = vector.load %arg2[%get3A_2, %get3A_3] : memref<32x5120xf32, #tpu.memory_space<vmem>>, vector<32x5120xf32>
    %dot_general3A = arith.constant dense<0.000000e+00> : vector<128x5120xf32>
    %dot_general3A_5 = tpu.matmul %get3A_1, %get3A_4, %dot_general3A {dimension_numbers = #tpu.dot_dimension_numbers<[1], [0], [0], [1], [0, 0, 1, 1], [], []>, transpose_lhs_hint = false} : vector<128x32xf32>, vector<32x5120xf32>, vector<128x5120xf32> -> vector<128x5120xf32>
    %get3A_6 = arith.constant 0 : index
    %get3A_7 = arith.constant 0 : index
    %get3A_8 = vector.load %arg3[%get3A_6, %get3A_7] : memref<1x5120xi32, #tpu.memory_space<vmem>>, vector<1x5120xi32>
    %convert_element_type3A = arith.sitofp %get3A_8 : vector<1x5120xi32> to vector<1x5120xf32>
    %log1p3A = math.log1p %convert_element_type3A : vector<1x5120xf32>
    %ge3A = arith.constant 0.000000e+00 : f32
    %ge3A_9 = vector.broadcast %ge3A : f32 to vector<128x5120xf32>
    %ge3A_10 = arith.cmpf oge, %dot_general3A_5, %ge3A_9 : vector<128x5120xf32>
    %jit3A = arith.constant 0.000000e+00 : f32
    %broadcast_in_dim3A = vector.broadcast %jit3A : f32 to vector<128x5120xf32>
    %select_n3A = arith.select %ge3A_10, %dot_general3A_5, %broadcast_in_dim3A : vector<128x5120xi1>, vector<128x5120xf32>
    %mul3A = vector.broadcast %log1p3A : vector<1x5120xf32> to vector<128x5120xf32>
    %mul3A_11 = arith.mulf %select_n3A, %mul3A : vector<128x5120xf32>
    %reduce_sum3A = arith.constant dense<0.000000e+00> : vector<128xf32>
    %reduce_sum3A_12 = vector.multi_reduction <add>, %mul3A_11, %reduce_sum3A [1] : vector<128x5120xf32> to vector<128xf32>
    %reshape3A = vector.shape_cast %reduce_sum3A_12 : vector<128xf32> to vector<1x1x128xf32>
    %swap3A = arith.constant 0 : index
    %swap3A_13 = arith.constant 0 : index
    %swap3A_14 = arith.constant 0 : index
    %swap3A_15 = vector.load %arg5[%swap3A, %swap3A_13, %swap3A_14] : memref<1x1x128xf32, #tpu.memory_space<vmem>>, vector<1x1x128xf32>
    tpu.vector_store %arg5[%swap3A, %swap3A_13, %swap3A_14], %reshape3A {strides = array<i32>} : memref<1x1x128xf32, #tpu.memory_space<vmem>>, vector<1x1x128xf32>,
    %lt3A = arith.constant 2 : i32
    %lt3A_16 = arith.cmpi slt, %arg0, %lt3A : i32
    %convert_element_type3A_17 = arith.extui %lt3A_16 : i1 to i32
    %cond3A = arith.constant 0 : i32
    %cond3A_18 = arith.cmpi ne, %convert_element_type3A_17, %cond3A : i32
    scf.if %cond3A_18 {
      %swap3A_19 = arith.constant 0 : index
      %swap3A_20 = arith.constant 0 : index
      %swap3A_21 = vector.load %arg4[%swap3A_19, %swap3A_20] : memref<128x5120xf32, #tpu.memory_space<vmem>>, vector<128x5120xf32>
      tpu.vector_store %arg4[%swap3A_19, %swap3A_20], %dot_general3A_5 {strides = array<i32>} : memref<128x5120xf32, #tpu.memory_space<vmem>>, vector<128x5120xf32>,
    } else {
    }
    return
  }
  func.func @transform_0(%arg0: i32) -> (i32, i32) {
    %c0_i32 = arith.constant 0 : i32
    %c0_i32_0 = arith.constant 0 : i32
    return %arg0, %c0_i32 : i32, i32
  }
  func.func @transform_1(%arg0: i32) -> (i32, i32) {
    %c0_i32 = arith.constant 0 : i32
    %c0_i32_0 = arith.constant 0 : i32
    %c0_i32_1 = arith.constant 0 : i32
    return %c0_i32, %c0_i32_0 : i32, i32
  }
  func.func @transform_2(%arg0: i32) -> (i32, i32) {
    %c0_i32 = arith.constant 0 : i32
    %c0_i32_0 = arith.constant 0 : i32
    %c0_i32_1 = arith.constant 0 : i32
    return %c0_i32, %c0_i32_0 : i32, i32
  }
  func.func @transform_3(%arg0: i32) -> (i32, i32) {
    %min3A = arith.constant 1 : i32
    %min3A_0 = arith.minsi %arg0, %min3A : i32
    %c0_i32 = arith.constant 0 : i32
    %c0_i32_1 = arith.constant 0 : i32
    return %min3A_0, %c0_i32 : i32, i32
  }
  func.func @transform_4(%arg0: i32) -> (i32, i32, i32) {
    %c0_i32 = arith.constant 0 : i32
    %c0_i32_0 = arith.constant 0 : i32
    %c0_i32_1 = arith.constant 0 : i32
    return %arg0, %c0_i32, %c0_i32_0 : i32, i32, i32
  }
}

module attributes {stable_mosaic.version = 14 : i64} {
  func.func @_tc_full_s_body(%arg0: i32, %arg1: memref<128x32xf32, #tpu.memory_space<vmem>>, %arg2: memref<32x5120xf32, #tpu.memory_space<vmem>>, %arg3: memref<128x5120xf32, #tpu.memory_space<vmem>>) attributes {dimension_semantics = [#tpu.dimension_semantics<arbitrary>], iteration_bounds = array<i64: 40>, scalar_prefetch = 0 : i64, scratch_operands = 0 : i64, tpu.core_type = #tpu.core_type<tc>, window_params = [{transform_indices = @transform_0, window_bounds = array<i64: 128, 32>}, {pipeline_mode = #tpu.pipeline_mode<synchronous>, transform_indices = @transform_1, window_bounds = array<i64: 32, 5120>}, {transform_indices = @transform_2, window_bounds = array<i64: 128, 5120>}]} {
    %get3A = arith.constant 0 : index
    %get3A_0 = arith.constant 0 : index
    %get3A_1 = vector.load %arg1[%get3A, %get3A_0] : memref<128x32xf32, #tpu.memory_space<vmem>>, vector<128x32xf32>
    %get3A_2 = arith.constant 0 : index
    %get3A_3 = arith.constant 0 : index
    %get3A_4 = vector.load %arg2[%get3A_2, %get3A_3] : memref<32x5120xf32, #tpu.memory_space<vmem>>, vector<32x5120xf32>
    %dot_general3A = arith.constant dense<0.000000e+00> : vector<128x5120xf32>
    %dot_general3A_5 = tpu.matmul %get3A_1, %get3A_4, %dot_general3A {dimension_numbers = #tpu.dot_dimension_numbers<[1], [0], [0], [1], [0, 0, 1, 1], [], []>, transpose_lhs_hint = false} : vector<128x32xf32>, vector<32x5120xf32>, vector<128x5120xf32> -> vector<128x5120xf32>
    %swap3A = arith.constant 0 : index
    %swap3A_6 = arith.constant 0 : index
    %swap3A_7 = vector.load %arg3[%swap3A, %swap3A_6] : memref<128x5120xf32, #tpu.memory_space<vmem>>, vector<128x5120xf32>
    tpu.vector_store %arg3[%swap3A, %swap3A_6], %dot_general3A_5 {strides = array<i32>} : memref<128x5120xf32, #tpu.memory_space<vmem>>, vector<128x5120xf32>,
    return
  }
  func.func @transform_0(%arg0: i32) -> (i32, i32) {
    %c0_i32 = arith.constant 0 : i32
    %c0_i32_0 = arith.constant 0 : i32
    return %arg0, %c0_i32 : i32, i32
  }
  func.func @transform_1(%arg0: i32) -> (i32, i32) {
    %c0_i32 = arith.constant 0 : i32
    %c0_i32_0 = arith.constant 0 : i32
    %c0_i32_1 = arith.constant 0 : i32
    return %c0_i32, %c0_i32_0 : i32, i32
  }
  func.func @transform_2(%arg0: i32) -> (i32, i32) {
    %c0_i32 = arith.constant 0 : i32
    %c0_i32_0 = arith.constant 0 : i32
    return %arg0, %c0_i32 : i32, i32
  }
}

</mosaic_0001>

<sc_bundles>
// kernel: branch_0_fun.4.cloned.1.call-start
scs
__scs_entry_jumppad:
0x0: {  	(pc) =	sbr.rel $0x88, $3  }
0x1: {  	(tag) =	ssettag $0x0;
	lr =	simm.s32 $0x1  }
0x2: {  	[smem:$0x3F9F] =	sst lr;
	_ =	strace $0xD0000000  }
0x3: {  	_ = 	snop  }
0x4: {  	_ = 	snop  }
0x5: {  	_ = 	snop  }
0x6: {  	_ = 	snop  }
0x7: {  	_ = 	snop  }
__scs_overlays_trampoline_lowered:
0x8: {  	[smem:$0x3FAE] =	sst s0  }
0x9: {  	[smem:$0x3FAF] =	sst s1  }
0xa: {  	[smem:$0x3FB0] =	sst s2  }
0xb: {  	[smem:$0x3FB1] =	sst s3  }
0xc: {  	[smem:$0x3FB2] =	sst s4  }
0xd: {  	[smem:$0x3FB3] =	sst s5  }
0xe: {  	[smem:$0x3FB4] =	sst s6  }
0xf: {  	[smem:$0x3FB5] =	sst s7  }
0x10: {  	[smem:$0x3FB6] =	sst s8  }
0x11: {  	[smem:$0x3FB7] =	sst s9;
	s0 =	simm.s32 @!p0 $0x0  }
0x12: {  	s1 =	sld [smem:$0x3F9D];
	s0 =	simm.s32 @p0 $0x1  }
0x13: {  	[smem:$0x3FB8] =	sst s0;
	s0 =	simm.s32 @!p1 $0x0  }
0x14: {  	s2 =	sld [smem:$0x3F9C];
	s0 =	simm.s32 @p1 $0x1  }
0x15: {  	[smem:$0x3FB9] =	sst s0;
	s0 =	simm.s32 @!p2 $0x0  }
0x16: {  	s3 =	sld [smem:$0x3FDB];
	s0 =	simm.s32 @p2 $0x1  }
0x17: {  	s4 =	simm.s32 $0x1BF5;
	[smem:$0x3FBB] =	sst s0  }
0x18: {  	s0 =	sld [smem:$0x3F9E];
	_ =	swait.ge [sflag:s4], $0x0  }
0x19: {  	s7 =	sld [smem:$0x3F9F]  }
0x1a: {  	s8 =	sadd.s32 $0xFFFFE003, lr  }
0x1b: {  	s9 =	sadd.s32 $0xFFFFFEF7, lr;
	s5 =	simm.s32 $0xFFFFFFFF;
	p2 =	slt.u32 s8, $0xFFFFF086  }
0x1c: {  	p1 =	slt.u32 s9, $0xF7A;
	s5 =	simm.s32 @!p2 $0x0  }
0x1d: {  	s5 =	simm.s32 @p1 $0x1;
	p0 =	seq.s32 s7, s2  }
0x1e: {  	s7 =	smul.u32 @!p0 $0xF7A, s2;
	p2 =	seq.s32 @!p0 s5, $0x0  }
0x1f: {  	s9 =	smul.u32 $0xF7A, s1;
	s8 =	simm.s32 @!p0 $0x1BF5;
	p2 =	por !p2, p0  }
0x20: {  	[sflag:s8] =	ssyncset.s32 @!p0 $0xFFFFF086;
	s6 =	sadd.s32 @!p0 s3, s7;
	s7 =	simm.s32 @!p0 $0x108  }
0x21: {  	s3 =	sadd.s32 s3, s9;
	s6 =	sadd.s32 @!p0 $0x88, s6;
	s7 =	simm.s32 @p2 $0x1082  }
0x22: {  	[simem:s7], [sflag:s8] =	dma.local @!p0 [hbm:s6], $0xF7A  }
0x23: {  	s9 =	sor.u32 $0xD0000000, s2;
	s6 =	simm.s32 $0x108;
	_ =	swait.ge @!p0 [sflag:s8], $0x0  }
0x24: {  	s3 =	sadd.s32 $0x88, s3;
	s6 =	simm.s32 @!p1 $0x1082;
	[sflag:s4] =	ssyncset.s32 $0xFFFFF086  }
0x25: {  	[simem:s6], [sflag:s4] =	dma.local [hbm:s3], $0xF7A  }
0x26: {  	[smem:$0x3F9F] =	sst s1;
	(tag) =	ssettag s2;
	_ =	strace s9  }
0x27: {  	s1 =	sld [smem:$0x3FAF]  }
0x28: {  	s2 =	sld [smem:$0x3FB0]  }
0x29: {  	s4 =	sld [smem:$0x3FB2]  }
0x2a: {  	p0 =	seq.s32 s5, $0x0;
	s5 =	sld [smem:$0x3FB3]  }
0x2b: {  	s6 =	sld [smem:$0x3FB4]  }
0x2c: {  	s7 =	sld [smem:$0x3FB5]  }
0x2d: {  	s3 =	simm.s32 $0x108;
	s8 =	sld [smem:$0x3FB6]  }
0x2e: {  	s3 =	simm.s32 @!p0 $0x1082;
	s9 =	sld [smem:$0x3FB7]  }
0x2f: {  	lr =	sadd.s32 s0, s3;
	s0 =	sld [smem:$0x3FAE]  }
0x30: {  	s3 =	sld [smem:$0x3FB1]  }
0x31: {  	[smem:$0x3FBA] =	sst s10  }
0x32: {  	s10 =	sld [smem:$0x3FB8];
	_ =	sdelay $0x3  }
0x33: {  	p0 =	seq.s32 s10, $0x1;
	s10 =	sld [smem:$0x3FBA];
	_ =	sdelay $0x3  }
0x34: {  	[smem:$0x3FBA] =	sst s10  }
0x35: {  	s10 =	sld [smem:$0x3FB9];
	_ =	sdelay $0x3  }
0x36: {  	p1 =	seq.s32 s10, $0x1;
	s10 =	sld [smem:$0x3FBA];
	_ =	sdelay $0x3  }
0x37: {  	[smem:$0x3FBA] =	sst s10  }
0x38: {  	s10 =	sld [smem:$0x3FBB]  }
0x39: {  	_ = 	snop;
	(pc) =	sbr.ind lr, $3  }
0x3a: {  	_ = 	snop  }
0x3b: {  	_ = 	snop  }
0x3c: {  	p2 =	seq.s32 s10, $0x1;
	s10 =	sld [smem:$0x3FBA]  }
0x3d: {  	_ =	shalt  }
0x3e: {  	_ =	shalt  }
0x3f: {  	_ =	shalt  }
0x40: {  	_ =	shalt  }
0x41: {  	_ =	shalt  }
0x42: {  	_ =	shalt  }
0x43: {  	_ =	shalt  }
0x44: {  	_ =	shalt  }
0x45: {  	_ =	shalt  }
0x46: {  	_ =	shalt  }
0x47: {  	_ =	shalt  }
0x48: {  	_ =	shalt  }
0x49: {  	_ =	shalt  }
0x4a: {  	_ =	shalt  }
0x4b: {  	_ =	shalt  }
0x4c: {  	_ =	shalt  }
0x4d: {  	_ =	shalt  }
0x4e: {  	_ =	shalt  }
0x4f: {  	_ =	shalt  }
0x50: {  	_ =	shalt  }
0x51: {  	_ =	shalt  }
0x52: {  	_ =	shalt  }
0x53: {  	_ =	shalt  }
0x54: {  	_ =	shalt  }
0x55: {  	_ =	shalt  }
0x56: {  	_ =	shalt  }
0x57: {  	_ =	shalt  }
0x58: {  	_ =	shalt  }
0x59: {  	_ =	shalt  }
0x5a: {  	_ =	shalt  }
0x5b: {  	_ =	shalt  }
0x5c: {  	_ =	shalt  }
0x5d: {  	_ =	shalt  }
0x5e: {  	_ =	shalt  }
0x5f: {  	_ =	shalt  }
0x60: {  	_ =	shalt  }
0x61: {  	_ =	shalt  }
0x62: {  	_ =	shalt  }
0x63: {  	_ =	shalt  }
0x64: {  	_ =	shalt  }
0x65: {  	_ =	shalt  }
0x66: {  	_ =	shalt  }
0x67: {  	_ =	shalt  }
0x68: {  	_ =	shalt  }
0x69: {  	_ =	shalt  }
0x6a: {  	_ =	shalt  }
0x6b: {  	_ =	shalt  }
0x6c: {  	_ =	shalt  }
0x6d: {  	_ =	shalt  }
0x6e: {  	_ =	shalt  }
0x6f: {  	_ =	shalt  }
0x70: {  	_ =	shalt  }
0x71: {  	_ =	shalt  }
0x72: {  	_ =	shalt  }
0x73: {  	_ =	shalt  }
0x74: {  	_ =	shalt  }
0x75: {  	_ =	shalt  }
0x76: {  	_ =	shalt  }
0x77: {  	_ =	shalt  }
0x78: {  	_ =	shalt  }
0x79: {  	_ =	shalt  }
0x7a: {  	_ =	shalt  }
0x7b: {  	_ =	shalt  }
0x7c: {  	_ =	shalt  }
0x7d: {  	_ =	shalt  }
0x7e: {  	_ =	shalt  }
0x7f: {  	_ =	shalt  }
0x80: {  	_ =	shalt  }
0x81: {  	_ =	shalt  }
0x82: {  	_ =	shalt  }
0x83: {  	_ =	shalt  }
0x84: {  	_ =	shalt  }
0x85: {  	_ =	shalt  }
0x86: {  	_ =	shalt  }
0x87: {  	_ =	shalt  }
.Lfunc_end0:
.L_simem_size_0:
called_computation_lowered:
.L_overlay_start_0:
0x88: {  	s2 =	sld [smem:$0x3FD9]  }
0x89: {  	s3 =	sld [smem:$0x3FFE];
	_ =	sdelay $0x1  }
0x8a: {  	s1 =	srdreg.scid  }
0x8b: {  	s0 =	sand.u32 $0x1, s1  }
0x8c: {  	s14 =	sshll.u32 s0, $0xA;
	s2 =	sadd.s32 s3, s2  }
0x8d: {  	s2 =	sadd.s32 s2, s14  }
0x8e: {  	[smem:$0x3FC6] =	sst s2  }
0x8f: {  	_ = 	snop  }
0x90: {  	s2 =	sld [smem:$0x3FD0];
	_ =	sdelay $0x2  }
0x91: {  	s15 =	simm.s32 $0xA;
	s4 =	simm.s32 $0x10  }
0x92: {  	[smem:s4], [sflag:s15] =	dma.local [hbm:s2], $0x1  }
0x93: {  	_ =	swait.eq [sflag:s15], $0x1  }
0x94: {  	[sflag:s15] =	ssyncset.done $0x0  }
0x95: {  	[sflag:s15] =	ssyncadd.s32 $0xFFFFFFFF  }
0x96: {  	s16 =	sld [smem:$0x10];
	(tm) =	ssettm $0x1  }
0x97: {  	s17 =	sld [smem:$0x3FFB];
	_ =	sdelay $0x3  }
0x98: {  	_ =	strace s17  }
0x99: {  	s3 =	sld [smem:$0x3FFC];
	_ =	sdelay $0x3  }
0x9a: {  	_ =	strace s3  }
0x9b: {  	s3 =	sld [smem:$0x3FFD];
	_ =	sdelay $0x3  }
0x9c: {  	_ =	strace s3  }
0x9d: {  	_ =	strace $0x8FFFFFFF  }
0x9e: {  	s18 =	sld [smem:$0x3FDB];
	_ =	sdelay $0x1  }
0x9f: {  	s19 =	simm.s32 $_scs_section_size  }
0xa0: {  	s5 =	simm.s32 $_size__tile_overlayer_lowered;
	s6 =	simm.s32 $_tile_overlayer_lowered  }
0xa1: {  	s22 =	simm.s32 $0x1BFF;
	s21 =	sshll.u32 s6, $0x1;
	s3 =	sadd.s32 s19, s18  }
0xa2: {  	s7 =	simm.s32 $0x0;
	s20 =	sshll.u32 s5, $0x1;
	s5 =	sadd.s32 s21, s3  }
0xa3: {  	[timem:s7], [sflag:s22] =	dma.local [hbm:s5], s20  }
0xa4: {  	_ =	swait.ge [sflag:s22], s20  }
0xa5: {  	s4 =	ssub.s32 $0x0, s20;
	[sflag:s22] =	ssyncset.done $0x0  }
0xa6: {  	[sflag:s22] =	ssyncadd.s32 s4;
	_ =	sdelay $0x1  }
0xa7: {  	s23 =	simm.s32 $0x1B8B  }
0xa8: {  	_ =	swait.ge [sflag:s23], $0x1  }
0xa9: {  	[sflag:s23] =	ssyncset.done $0x0  }
0xaa: {  	s25 =	simm.s32 $0x1B8E;
	s24 =	sld [smem:$0x3FFE];
	[sflag:s23] =	ssyncadd.s32 $0xFFFFFFFF  }
0xab: {  	s26 =	simm.s32 $execute0_lowered;
	[smem:$0x3FD2] =	sst s25  }
0xac: {  	s5 =	sshll.u32 s26, $0x1;
	_ =	strace $0x80000046;
	[dreg:$0x1] =	wrdreg $0xFFFFFFFF  }
0xad: {  	s28 =	simm.s32 $_size_execute0_lowered;
	s3 =	sadd.s32 s3, s5;
	[dreg:$0x0] =	wrdreg $0x0  }
0xae: {  	s5 =	sshll.u32 s28, $0x1;
	[dreg:$0x2] =	wrdreg s3  }
0xaf: {  	[dreg:$0x3] =	wrdreg s5  }
0xb0: {  	[dreg:$0x4] =	wrdreg $0xC0  }
0xb1: {  	_ =	task [dreg:s7], $0x5FFFF  }
0xb2: {  	[dreg:$0x1] =	wrdreg $0xFFFFFFFF  }
0xb3: {  	[dreg:$0x0] =	wrdreg $0x60  }
0xb4: {  	[dreg:$0x2] =	wrdreg s24  }
0xb5: {  	[dreg:$0x3] =	wrdreg s16  }
0xb6: {  	[dreg:$0x4] =	wrdreg $0x9  }
0xb7: {  	_ =	task.clear_ibuf [dreg:s7], $0x5FFFF;
	_ =	strace $0x90000046  }
0xb8: {  	s29 =	simm.s32 $0x9;
	_ =	strace $0x80000048  }
0xb9: {  	_ =	swait.ge [sflag:s29], $0x1  }
0xba: {  	[sflag:s29] =	ssyncadd.s32 $0xFFFFFFFF  }
0xbb: {  	_ =	strace $0x90000048  }
0xbc: {  	_ =	sfence  }
0xbd: {  	s30 =	sld [smem:$0x0];
	_ =	sdelay $0x2  }
0xbe: {  	s31 =	sshll.u32 s1, $0xD;
	s1 =	sshrl.u32 s1, $0x2  }
0xbf: {  	s3 =	sand.u32 $0x4000, s31;
	s1 =	sadd.s32 s1, s30  }
0xc0: {  	s0 =	sor.u32 s3, s0;
	s1 =	sshll.u32 s1, $0x11  }
0xc1: {  	s0 =	sor.u32 s1, s0  }
0xc2: {  	s0 =	sadd.s32 $0x8F2B, s0  }
0xc3: {  	[sflag:s0] =	ssyncadd.remote.s32 $0x1  }
0xc4: {  	_ =	sfence.sel $0xFFFF  }
0xc5: {  	[dreg:$0x0] =	wrdreg $0xFFFFFFFF;
	(pc) =	sbr.abs _section_cstart, $3  }
0xc6: {  	[dreg:$0x1] =	wrdreg $0xFFFFFFFF  }
0xc7: {  	_ =	task.clear_ibuf [dreg:s7], $0x2FFFF;
	_ =	strace $0x9FFFFFFF  }
0xc8: {  	(tm) =	ssettm $0x7FFFFFFF  }
0xc9: {  	_ =	shalt  }
tec
execute0_lowered:
.L_overlay_start_1:
0x0: {  	(tag) =	ssettag $0x1  }
0x1: {  	s0 =	srdreg.scid  }
0x2: {  	s1 =	stileid.u32;
	s5 =	sand.u32 $0x1, s0  }
0x3: {  	s4 =	sor.u32 s1, s5  }
0x4: {  	p0 =	sne.s32 s4, $0x0  }
.Ltmp0:
0x5: {  	_ = 	snop;
	(pc) =	sbr.rel @!p0 .LBB2_1-.Ltmp0, $4  }
0x6: {  	s7 =	rddreg [dreg:$0x0]  }
0x7: {  	s2 =	rddreg [dreg:$0x1];
	s3 =	simm.s32 $0x0  }
0x8: {  	[smem:$0x7FF] =	sst s3  }
0x9: {  	s0 =	rddreg [dreg:$0x2];
	_ =	strace $0x80000047  }
.LBB2_9:
0xa: {  	_ =	sfence.sel $0x180000  }
0xb: {  	[bflag:$0x0] =	sbarrier.arrive $0xFFFF  }
0xc: {  	p0 =	sne.s32 s1, $0x0;
	_ =	strace $0x90000047  }
0xd: {  	s0 =	sadd.s32 @!p0 $0x100000, s0;
	[bflag:$0x2] =	sbarrier.arrive $0xFFFF  }
0xe: {  	[sflag:s0] =	ssyncadd.tile.s32 @!p0 $0x1;
	_ =	shalt  }
.LBB2_1:
.Ltmp1:
0xf: {  	s4 =	sadd.s32 $0x2A000, s7;
	s8 =	ssub.s32 $0x2, s5;
	(pc) =	sbr.rel .LBB2_2-.Ltmp1, $4  }
0x10: {  	s5 =	sadd.s32 $0x29600, s7;
	s6 =	sadd.s32 $0x29A00, s7;
	s7 =	sadd.s32 $0x29E00, s7;
	vm0 =	vmmov $0x1;
	v1 =	vimm.s32 $0x0  }
0x11: {  	s10 =	simm.s32 $0x1400;
	s11 =	simm.s32 $0x3C00;
	s12 =	simm.s32 $0x80;
	vm15 =	vmmov $0xff;
	v2 =	vimm.s32 $0x0;
	v1 =	vsel vm0, $0xFFFFFFFF, v1  }
0x12: {  	v0 =	vlaneseq.u32;
	s13 =	simm.s32 $0x400;
	s14 =	simm.s32 $0x2800;
	s9 =	sshrl.u32 s8, $0x1;
	v2 =	vsel vm15, $0xFFFFFFFF, v2;
	[tilespmem:$0x1FFE0] =	vst v1  }
0x13: {  	s15 =	simm.s32 $0x0;
	s8 =	ssub.s32 s8, s9;
	s9 =	simm.s32 $0x1;
	v1 =	vadd.s32 $0x1381, v0;
	[tilespmem:$0x1FFF0] =	vst v2  }
.LBB2_8:
0x14: {  	s15 =	sadd.s32 $0x1, s15  }
0x15: {  	p0 =	sne.s32 s15, s8  }
.Ltmp2:
0x16: {  	_ = 	snop;
	(pc) =	sbr.rel @!p0 .LBB2_9-.Ltmp2, $4  }
0x17: {  	[hbm4b:s2+s3] =	stream.linear.scatter [tilespmem:s3], [sflag:$0x1], $0x1400, $0x38;
	[tilespmem:$0x3C80] =	vst v63  }
0x18: {  	_ =	swait.ge [sflag:s9], $0x1400  }
0x19: {  	[sflag:s9] =	ssyncset.done $0x0  }
0x1a: {  	[sflag:s9] =	ssyncadd.s32 $0xFFFFEC00  }
.LBB2_2:
0x1b: {  	[tilespmem:s3], [sflag:$0x1] =	stream.linear.gather [hbm4b:s5+s3], $0x1400, $0x38;
	[tilespmem:$0x3C80] =	vst v63  }
0x1c: {  	_ =	swait.ge [sflag:s9], $0x1400  }
0x1d: {  	[sflag:s9] =	ssyncset.done $0x0  }
0x1e: {  	[sflag:s9] =	ssyncadd.s32 $0xFFFFEC00  }
0x1f: {  	[tilespmem:s10], [sflag:$0x1] =	stream.linear.gather [hbm4b:s6+s3], $0x1400, $0x38;
	[tilespmem:$0x3C80] =	vst v63  }
0x20: {  	_ =	swait.ge [sflag:s9], $0x1400  }
0x21: {  	[sflag:s9] =	ssyncset.done $0x0  }
0x22: {  	[sflag:s9] =	ssyncadd.s32 $0xFFFFEC00  }
0x23: {  	[tilespmem:s11], [sflag:$0x1] =	stream.linear.gather [hbm4b:s7+s3], $0x80, $0x38;
	[tilespmem:$0x3C80] =	vst v63  }
0x24: {  	_ =	swait.ge [sflag:s9], $0x80  }
0x25: {  	[sflag:s9] =	ssyncset.done $0x0  }
0x26: {  	v3 =	vld [tilespmem:$0x1FFE0];
	[sflag:s9] =	ssyncadd.s32 $0xFFFFFF80  }
0x27: {  	v2 =	vld [tilespmem:$0x3C00];
	_ =	sdelay $0x3  }
0x28: {  	vm0 =	vnez.u8 v3  }
0x29: {  	v2 =	vnsel vm0, $0x0, v2  }
0x2a: {  	v2 =	vxor.u32 $0x80000000, v2  }
0x2b: {  	(xrf0) =	vmax.scan.msk.u32 $0xffff, v2;
	_ =	sdelay $0x5  }
0x2c: {  	v2, _, _ =	vpop (xrf0)  }
0x2d: {  	(v2sf) =	vpush v2, $0xF;
	_ =	sdelay $0xe  }
0x2e: {  	s16 =	spop (v2sf)  }
0x2f: {  	s16 =	sxor.u32 $0x80000000, s16  }
0x30: {  	p0 =	sgt.s32 s16, $0x1387  }
.Ltmp3:
0x31: {  	_ = 	snop;
	(pc) =	sbr.rel @p0 .LBB2_8-.Ltmp3, $1  }
0x32: {  	_ =	sdelay $0x3  }
.LBB2_3:
0x33: {  	s17 =	sshrl.u32 s16, $0x3  }
0x34: {  	s18 =	sshll.u32 s16, $0x7;
	s17 =	smul.u32 $0xA000, s17  }
0x35: {  	s18 =	sand.u32 $0x380, s18  }
0x36: {  	s22 =	sand.u32 $0x3F, s16;
	s17 =	sor.u32 s18, s17  }
0x37: {  	s23 =	sshra.s32 s16, $0x1F;
	p0 =	slt.s32 s16, $0x1;
	s17 =	sshrl.u32 s17, $0x3  }
0x38: {  	v2 =	vmov s16;
	s25 =	simm.s32 $0x0;
	s19 =	simm.s32 $0x2840;
	s17 =	sadd.s32 s4, s17  }
0x39: {  	[tilespmem:s14], [sflag:$0x1] =	stream.strided.gather [hbm4b:s17+s12], $0x1400, s13, s12, $0x38;
	[tilespmem:$0x3C80] =	vst v63  }
0x3a: {  	s26 =	simm.s32 $0x40;
	s28 =	simm.s32 $0x40;
	_ =	swait.ge [sflag:s9], $0x1400  }
0x3b: {  	s21 =	simm.s32 $0x70;
	p1 =	sne.s32 s22, $0x0;
	[sflag:s9] =	ssyncset.done $0x0  }
0x3c: {  	s24 =	sshrl.u32 s23, $0x1A;
	p0 =	por !p0, !p1;
	[sflag:s9] =	ssyncadd.s32 $0xFFFFEC00  }
0x3d: {  	p0 =	por !p0, !p0;
	s18 =	simm.s32 $0x1;
	s17 =	sadd.s32 s24, s16;
	v3 =	vld.idx.msk [tilespmem:v2+s25+$0x0], $0xffff  }
0x3e: {  	s29 =	simm.s32 $0x60;
	s18 =	simm.s32 @!p0 $0x0;
	s17 =	sshrl.u32 s17, $0x6;
	v8 =	vld [tilespmem:s19+$0x0]  }
0x3f: {  	s30 =	simm.s32 $0x10;
	s31 =	simm.s32 $0x50;
	v18 =	vimm.s32 $0x0;
	v9 =	vor.u32 s28, v0;
	v10 =	vor.u32 s21, v0;
	s17 =	ssub.s32 s17, s18;
	v5 =	vld [tilespmem:s26+$0xFFFFFFE0]  }
0x40: {  	s22 =	simm.s32 $0x30;
	v11 =	vor.u32 s25, v0;
	s23 =	simm.s32 $0x20;
	v13 =	vor.u32 s29, v0;
	v14 =	vor.u32 s30, v0;
	s17 =	sshll.u32 s17, $0x6;
	v7 =	vld [tilespmem:s26+$0x0]  }
0x41: {  	v17 =	vor.u32 s31, v0;
	v12 =	vor.u32 s22, v0;
	v16 =	vor.u32 s23, v0;
	s20 =	sor.u32 $0x1, s17;
	v15 =	vld [tilespmem:s19+$0xFFFFFFC0]  }
0x42: {  	vm6 =	vlt.u32 v9, $0x1388;
	vm9 =	vlt.u32 v11, $0x1388;
	v6 =	vld [tilespmem:s26+$0xFFFFFFC0];
	v4 =	vmov s20  }
0x43: {  	vm0 =	vlt.u32 v17, $0x1388;
	vm4 =	vlt.u32 v10, $0x1388;
	vm3 =	vge.s32 v9, v4;
	v9 =	vld [tilespmem:s19+$0xFFFFFFE0]  }
0x44: {  	v18 =	vsel vm0, $0xFFFFFFFF, v18;
	vm15 =	vlt.u32 v16, $0x1388;
	vm8 =	vge.s32 v11, v4;
	v11 =	vld [tilespmem:s19+$0x30]  }
0x45: {  	vm7 =	vge.s32 v10, v4;
	vm11 =	vge.s32 v12, v4;
	vm2 =	vge.f32 v8, $0.0e+00;
	v8 =	vld [tilespmem:s19+$0x20];
	[tilespmem:$0x1FFD0] =	vst v18  }
0x46: {  	vm5 =	vge.s32 v17, v4;
	vm14 =	vge.s32 v14, v4;
	vm12 =	vge.f32 v15, $0.0e+00;
	v18 =	vld [tilespmem:s19+$0xFFFFFFD0]  }
0x47: {  	vm10 =	vmand vm3, vm2;
	vm3 =	vlt.u32 v14, $0x1388;
	v14 =	vld [tilespmem:s19+$0xFFFFFFF0];
	vm12 =	vmand vm8, vm12  }
0x48: {  	vm13 =	vge.s32 v13, v4;
	v15 =	vld [tilespmem:s19+$0x10];
	vm8 =	vmand vm6, vm10;
	vm6 =	vmand vm9, vm12  }
0x49: {  	v10 =	vld [tilespmem:s26+$0x20];
	vm9 =	vge.s32 v16, v4;
	vm10 =	vge.f32 v9, $0.0e+00;
	vm0 =	vge.f32 v11, $0.0e+00  }
0x4a: {  	v9 =	vld [tilespmem:s26+$0xFFFFFFD0];
	vm10 =	vmand vm9, vm10;
	vm9 =	vlt.u32 v12, $0x1388;
	vm12 =	vge.f32 v8, $0.0e+00  }
0x4b: {  	v11 =	vld [tilespmem:s26+$0x10];
	vm12 =	vmand vm13, vm12;
	vm13 =	vmand vm7, vm0;
	vm0 =	vge.f32 v18, $0.0e+00  }
0x4c: {  	v12 =	vld [tilespmem:s26+$0x30];
	vm7 =	vmand vm15, vm10;
	vm15 =	vge.f32 v14, $0.0e+00;
	vm10 =	vmand vm14, vm0  }
0x4d: {  	s18 =	simm.s32 $0xC0;
	s17 =	simm.s32 $0x28C0;
	s20 =	simm.s32 $0x80;
	v8 =	vld [tilespmem:s26+$0xFFFFFFF0];
	vm14 =	vlt.u32 v13, $0x1388;
	vm15 =	vmand vm11, vm15;
	vm11 =	vge.f32 v15, $0.0e+00  }
.LBB2_4:
0x4e: {  	_ =	sdelay $0x1  }
0x4f: {  	v13 =	vld [tilespmem:s17+$0x0]  }
0x50: {  	s21 =	sadd.s32 $0x40, s20;
	s22 =	sadd.s32 $0x70, s20;
	vm11 =	vmand vm5, vm11;
	vm5 =	vmand vm4, vm13;
	s23 =	smov.u32 s20;
	v14 =	vld [tilespmem:s18+$0xFFFFFFE0];
	v24 =	vimm.s32 $0x0  }
0x51: {  	[tilespmem:v5+s10+$0x0] =	vst.idx.msk vm7, v2;
	v5 =	vld [tilespmem:$0x1FFD0];
	s24 =	sadd.s32 $0x30, s23;
	v15 =	vor.u32 s21, v0;
	s25 =	sadd.s32 $0x60, s23;
	v16 =	vor.u32 s22, v0;
	v17 =	vor.u32 s23, v0;
	s31 =	sadd.s32 $0x10, s23  }
0x52: {  	s30 =	sadd.s32 $0x50, s23;
	s23 =	sadd.s32 $0x20, s23;
	v18 =	vor.u32 s24, v0;
	v19 =	vor.u32 s25, v0;
	v20 =	vor.u32 s31, v0  }
0x53: {  	v63 =	vld [tilespmem:s17+$0x10];
	v21 =	vor.u32 s23, v0;
	v23 =	vor.u32 s30, v0;
	[tilespmem:v6+s10+$0x0] =	vst.idx.msk vm6, v2;
	vm6 =	vmand vm9, vm15  }
0x54: {  	v62 =	vld [tilespmem:s17+$0xFFFFFFE0];
	vm13 =	vge.s32 v17, v4;
	vm4 =	vlt.u32 v16, $0x1388;
	[tilespmem:v7+s10+$0x0] =	vst.idx.msk vm8, v2;
	vm8 =	vmand vm14, vm12  }
0x55: {  	vm2 =	vlt.u32 v21, $0x1388;
	vm9 =	vmand vm3, vm10;
	vm12 =	vlt.u32 v15, $0x1388;
	v22 =	vld [tilespmem:s17+$0xFFFFFFC0]  }
0x56: {  	vm10 =	vge.s32 v16, v4;
	vm0 =	vge.f32 v13, $0.0e+00;
	v13 =	vld [tilespmem:s17+$0x30];
	vm1 =	vnez.u8 v5  }
0x57: {  	vm3 =	vge.s32 v15, v4;
	v15 =	vld [tilespmem:s17+$0x20];
	vm14 =	vlt.u32 v17, $0x1388;
	vm7 =	vmand vm1, vm11  }
0x58: {  	vm15 =	vge.s32 v19, v4;
	v7 =	vld [tilespmem:s18+$0x0];
	vm11 =	vge.s32 v18, v4;
	vm0 =	vmand vm3, vm0;
	[tilespmem:v12+s10+$0x0] =	vst.idx.msk vm5, v2  }
0x59: {  	vm1 =	vlt.u32 v23, $0x1388;
	v12 =	vld [tilespmem:s17+$0xFFFFFFD0];
	vm3 =	vlt.u32 v20, $0x1388;
	vm5 =	vge.s32 v23, v4;
	[tilespmem:v8+s10+$0x0] =	vst.idx.msk vm6, v2  }
0x5a: {  	v5 =	vmovc v14;
	[tilespmem:v10+s10+$0x0] =	vst.idx.msk vm8, v2;
	v10 =	vsel vm1, $0xFFFFFFFF, v24;
	vm6 =	vge.f32 v22, $0.0e+00;
	vm1 =	vge.s32 v20, v4;
	v14 =	vld [tilespmem:s17+$0xFFFFFFF0]  }
0x5b: {  	p0 =	slt.u32 s20, $0x1300;
	v6 =	vld [tilespmem:s18+$0xFFFFFFC0];
	[tilespmem:v9+s10+$0x0] =	vst.idx.msk vm9, v2;
	vm8 =	vmand vm12, vm0;
	vm0 =	vge.f32 v13, $0.0e+00;
	vm12 =	vge.s32 v21, v4  }
.Ltmp4:
0x5c: {  	vm9 =	vlt.u32 v18, $0x1388;
	[tilespmem:$0x1FFD0] =	vst v10;
	vm6 =	vmand vm13, vm6;
	v10 =	vld [tilespmem:s18+$0x20];
	vm13 =	vge.f32 v15, $0.0e+00;
	(pc) =	sbr.rel @p0 .LBB2_4-.Ltmp4, $4  }
0x5d: {  	v8 =	vld [tilespmem:s18+$0xFFFFFFF0];
	vm6 =	vmand vm14, vm6;
	[tilespmem:v11+s10+$0x0] =	vst.idx.msk vm7, v2;
	vm7 =	vge.f32 v62, $0.0e+00;
	vm14 =	vlt.u32 v19, $0x1388  }
0x5e: {  	v9 =	vld [tilespmem:s18+$0xFFFFFFD0];
	vm7 =	vmand vm12, vm7;
	vm12 =	vmand vm15, vm13;
	vm13 =	vmand vm10, vm0  }
0x5f: {  	s19 =	sadd.s32 $0x80, s20;
	vm0 =	vge.f32 v12, $0.0e+00;
	v12 =	vld [tilespmem:s18+$0x30];
	vm7 =	vmand vm2, vm7;
	vm2 =	vge.f32 v14, $0.0e+00  }
0x60: {  	s20 =	smov.u32 s19;
	s17 =	sadd.s32 $0x80, s17;
	v11 =	vld [tilespmem:s18+$0x10];
	s18 =	sadd.s32 $0x80, s18;
	vm10 =	vmand vm1, vm0;
	vm15 =	vmand vm11, vm2;
	vm11 =	vge.f32 v63, $0.0e+00  }
0x61: {  	_ =	sdelay $0x4  }
0x62: {  	[tilespmem:v7+s10+$0x0] =	vst.idx.msk vm8, v2  }
0x63: {  	[tilespmem:v6+s10+$0x0] =	vst.idx.msk vm6, v2  }
0x64: {  	v6 =	vld [tilespmem:$0x1FFD0];
	_ =	sdelay $0x1  }
0x65: {  	vm0 =	vmand vm14, vm12  }
0x66: {  	vm1 =	vmand vm4, vm13  }
0x67: {  	vm2 =	vmand vm9, vm15  }
0x68: {  	vm11 =	vmand vm5, vm11;
	vm3 =	vmand vm3, vm10;
	vm12 =	vnez.u8 v6  }
0x69: {  	vm4 =	vmand vm12, vm11  }
0x6a: {  	[tilespmem:v5+s10+$0x0] =	vst.idx.msk vm7, v2  }
0x6b: {  	[tilespmem:v10+s10+$0x0] =	vst.idx.msk vm0, v2  }
0x6c: {  	[tilespmem:v12+s10+$0x0] =	vst.idx.msk vm1, v2  }
0x6d: {  	[tilespmem:v8+s10+$0x0] =	vst.idx.msk vm2, v2  }
0x6e: {  	[tilespmem:v9+s10+$0x0] =	vst.idx.msk vm3, v2  }
0x6f: {  	[tilespmem:v11+s10+$0x0] =	vst.idx.msk vm4, v2  }
0x70: {  	v5 =	vld [tilespmem:$0x3B80];
	_ =	sdelay $0x4  }
0x71: {  	vm13 =	vge.f32 v5, $0.0e+00;
	v5 =	vld [tilespmem:$0x1FFF0];
	_ =	sdelay $0x3  }
0x72: {  	vm14 =	vlt.s32 v4, v1;
	v4 =	vld [tilespmem:$0x1380]  }
0x73: {  	vm0 =	vmand vm14, vm13;
	vm15 =	vnez.u8 v5  }
0x74: {  	vm0 =	vmand vm0, vm15;
	_ =	sdelay $0x5  }
0x75: {  	s17 =	simm.s32 $0x40;
	[tilespmem:v4+s10+$0x0] =	vst.idx.msk vm0, v2  }
0x76: {  	v6 =	vld [tilespmem:s17+$0xFFFFFFC0]  }
0x77: {  	v7 =	vld [tilespmem:s17+$0xFFFFFFD0]  }
0x78: {  	v10 =	vld [tilespmem:s17+$0xFFFFFFE0]  }
0x79: {  	v12 =	vld [tilespmem:s17+$0xFFFFFFF0]  }
0x7a: {  	v14 =	vld [tilespmem:s17+$0x0]  }
0x7b: {  	v8 =	vld [tilespmem:s17+$0x20]  }
0x7c: {  	v5 =	vld [tilespmem:s17+$0x30]  }
0x7d: {  	v9 =	vld [tilespmem:s17+$0x10]  }
0x7e: {  	v11 =	vld.idx.msk [tilespmem:v6+s10+$0x0], $0xffff  }
0x7f: {  	v13 =	vld.idx.msk [tilespmem:v7+s10+$0x0], $0xffff  }
0x80: {  	v15 =	vld.idx.msk [tilespmem:v10+s10+$0x0], $0xffff  }
0x81: {  	v16 =	vld.idx.msk [tilespmem:v12+s10+$0x0], $0xffff  }
0x82: {  	v17 =	vld.idx.msk [tilespmem:v14+s10+$0x0], $0xffff  }
0x83: {  	v19 =	vld.idx.msk [tilespmem:v8+s10+$0x0], $0xffff  }
0x84: {  	v18 =	vld.idx.msk [tilespmem:v5+s10+$0x0], $0xffff  }
0x85: {  	s18 =	simm.s32 $0x0;
	s19 =	simm.s32 $0xC0;
	v4 =	vimm.s32 $0x0;
	v20 =	vld.idx.msk [tilespmem:v9+s10+$0x0], $0xffff  }
.LBB2_6:
0x86: {  	v21 =	vld [tilespmem:s19+$0xFFFFFFC0]  }
0x87: {  	v22 =	vld [tilespmem:s19+$0xFFFFFFD0]  }
0x88: {  	vm2 =	veq.s32 v11, v2;
	v23 =	vld [tilespmem:s19+$0xFFFFFFE0]  }
0x89: {  	vm3 =	veq.s32 v13, v2;
	vm4 =	veq.s32 v15, v2;
	vm0 =	veq.s32 v16, v2;
	v24 =	vld [tilespmem:s19+$0xFFFFFFF0]  }
0x8a: {  	vm1 =	veq.s32 v17, v2;
	vm5 =	veq.s32 v19, v2;
	vm6 =	veq.s32 v18, v2;
	v25 =	vld [tilespmem:s19+$0x0]  }
0x8b: {  	v11 =	vsel vm5, v3, v8;
	vm7 =	veq.s32 v20, v2;
	v18 =	vsel vm6, v3, v5;
	v8 =	vld [tilespmem:s19+$0x20]  }
0x8c: {  	s18 =	sadd.s32 $0x80, s18;
	vm5 =	veq.s32 v11, v3;
	v13 =	vsel vm7, v3, v9;
	vm6 =	veq.s32 v18, v3;
	v5 =	vld [tilespmem:s19+$0x30];
	[tilespmem:s17+$0x20] =	vst v11  }
0x8d: {  	p0 =	slt.u32 s18, $0x1300;
	v14 =	vsel vm1, v3, v14;
	vm1 =	veq.s32 v13, v3;
	vm5 =	vmand vm6, vm5;
	v9 =	vld [tilespmem:s19+$0x10];
	[tilespmem:s17+$0x10] =	vst v13  }
0x8e: {  	v12 =	vsel vm0, v3, v12;
	vm0 =	veq.s32 v14, v3;
	vm1 =	vmand vm5, vm1;
	v11 =	vld.idx.msk [tilespmem:v21+s10+$0x0], $0xffff;
	[tilespmem:s17+$0x0] =	vst v14  }
0x8f: {  	v10 =	vsel vm4, v3, v10;
	vm4 =	veq.s32 v12, v3;
	vm0 =	vmand vm1, vm0;
	v13 =	vld.idx.msk [tilespmem:v22+s10+$0x0], $0xffff;
	[tilespmem:s17+$0xFFFFFFF0] =	vst v12  }
0x90: {  	vm1 =	veq.s32 v10, v3;
	v12 =	vsel vm3, v3, v7;
	vm0 =	vmand vm0, vm4;
	v15 =	vld.idx.msk [tilespmem:v23+s10+$0x0], $0xffff;
	[tilespmem:s17+$0xFFFFFFE0] =	vst v10  }
.Ltmp5:
0x91: {  	v20 =	vsel vm2, v3, v6;
	vm2 =	veq.s32 v12, v3;
	vm0 =	vmand vm0, vm1;
	v16 =	vld.idx.msk [tilespmem:v24+s10+$0x0], $0xffff;
	[tilespmem:s17+$0xFFFFFFD0] =	vst v12;
	(pc) =	sbr.rel @p0 .LBB2_6-.Ltmp5, $4  }
0x92: {  	v6 =	vmovc v21;
	v7 =	vmov v22;
	vm1 =	veq.s32 v20, v3;
	vm0 =	vmand vm0, vm2;
	v17 =	vld.idx.msk [tilespmem:v25+s10+$0x0], $0xffff;
	[tilespmem:s17+$0xFFFFFFC0] =	vst v20  }
0x93: {  	v14 =	vmovc v25;
	v10 =	vmov v23;
	vm0 =	vmand vm0, vm1;
	v12 =	vmov v24;
	v19 =	vld.idx.msk [tilespmem:v8+s10+$0x0], $0xffff;
	[tilespmem:s17+$0x30] =	vst v18;
	s17 =	smov.u32 s19  }
0x94: {  	v4 =	vnsel vm0, $0x1, v4;
	v18 =	vld.idx.msk [tilespmem:v5+s10+$0x0], $0xffff  }
0x95: {  	s19 =	sadd.s32 $0x80, s19;
	v20 =	vld.idx.msk [tilespmem:v9+s10+$0x0], $0xffff  }
0x96: {  	vm15 =	veq.s32 v16, v2  }
0x97: {  	vm4 =	veq.s32 v15, v2;
	v12 =	vsel vm15, v3, v12  }
0x98: {  	vm5 =	veq.s32 v13, v2;
	v10 =	vsel vm4, v3, v10;
	[tilespmem:s17+$0xFFFFFFF0] =	vst v12  }
0x99: {  	vm6 =	veq.s32 v11, v2;
	v7 =	vsel vm5, v3, v7;
	[tilespmem:s17+$0xFFFFFFE0] =	vst v10  }
0x9a: {  	vm14 =	veq.s32 v17, v2;
	v6 =	vsel vm6, v3, v6;
	[tilespmem:s17+$0xFFFFFFD0] =	vst v7  }
0x9b: {  	vm0 =	veq.s32 v19, v2;
	v14 =	vsel vm14, v3, v14;
	[tilespmem:s17+$0xFFFFFFC0] =	vst v6  }
0x9c: {  	v8 =	vsel vm0, v3, v8;
	[tilespmem:s17+$0x0] =	vst v14;
	vm7 =	veq.s32 v18, v2  }
0x9d: {  	vm1 =	veq.s32 v20, v2;
	[tilespmem:s17+$0x20] =	vst v8;
	v5 =	vsel vm7, v3, v5  }
0x9e: {  	v9 =	vsel vm1, v3, v9;
	[tilespmem:s17+$0x30] =	vst v5  }
0x9f: {  	[tilespmem:s17+$0x10] =	vst v9  }
0xa0: {  	v61 =	vld [tilespmem:$0x1380];
	_ =	sdelay $0x5  }
0xa1: {  	vm8 =	veq.s32 v8, v3;
	vm1 =	veq.s32 v5, v3  }
0xa2: {  	vm2 =	veq.s32 v9, v3;
	vm0 =	vmand vm1, vm8  }
0xa3: {  	vm9 =	veq.s32 v14, v3;
	vm0 =	vmand vm0, vm2;
	v62 =	vld.idx.msk [tilespmem:v61+s10+$0x0], $0xffff  }
0xa4: {  	vm10 =	veq.s32 v12, v3;
	vm0 =	vmand vm0, vm9  }
0xa5: {  	vm11 =	veq.s32 v10, v3;
	vm0 =	vmand vm0, vm10  }
0xa6: {  	vm12 =	veq.s32 v7, v3;
	vm0 =	vmand vm0, vm11  }
0xa7: {  	vm13 =	veq.s32 v6, v3;
	vm0 =	vmand vm0, vm12  }
0xa8: {  	vm0 =	vmand vm0, vm13;
	vm14 =	veq.s32 v62, v2  }
0xa9: {  	v2 =	vnsel vm0, $0x1, v4;
	v63 =	vsel vm14, v3, v61  }
0xaa: {  	v2 =	vor.u32 $0x80000000, v2;
	vm15 =	veq.s32 v63, v3  }
0xab: {  	v2 =	vnsel vm15, $0x80000001, v2  }
0xac: {  	(xrf0) =	vmax.scan.msk.u32 $0xffff, v2;
	_ =	sdelay $0x5  }
0xad: {  	v2, _, _ =	vpop (xrf0)  }
0xae: {  	(v2sf) =	vpush v2, $0xF;
	_ =	sdelay $0xe  }
0xaf: {  	p0 =	sgt.s32 s16, $0x1386;
	s17 =	spop (v2sf)  }
0xb0: {  	p1 =	sne.s32 @!p0 s17, $0x80000000  }
0xb1: {  	p0 =	por p0, !p1  }
.Ltmp6:
0xb2: {  	_ = 	snop;
	(pc) =	sbr.rel @!p0 .LBB2_3-.Ltmp6, $4  }
.Ltmp7:
0xb3: {  	_ = 	snop;
	(pc) =	sbr.rel @p0 .LBB2_8-.Ltmp7, $4  }
0xb4: {  	_ = 	snop  }
0xb5: {  	_ = 	snop  }
0xb6: {  	s16 =	sadd.s32 $0x1, s16;
	[tilespmem:$0x1380] =	vst v63  }
0xb7: {  	_ = 	snop  }
.Lfunc_end2:
_tile_overlayer_lowered:
.L_overlay_start_2:
0xb8: {  	(tag) =	ssettag $0x2  }
0xb9: {  	s0 =	rddreg [dreg:$0x0];
	s2 =	stileid.u32  }
0xba: {  	s1 =	rddreg [dreg:$0x1];
	p0 =	sne.s32 s2, $0x0  }
0xbb: {  	s3 =	rddreg [dreg:$0x2];
	[bflag:$0x3] =	sbarrier.arrive $0xFFFF;
	s2 =	simm.s32 @!p0 $0x1C01  }
0xbc: {  	[timem:s3], [sflag:s2] =	dma.local @!p0 [hbm:s0], s1  }
0xbd: {  	s0 =	simm.s32 @!p0 $0x1  }
0xbe: {  	_ =	swait.ge @!p0 [sflag:s0], s1  }
0xbf: {  	s1 =	ssub.s32 @!p0 $0x0, s1;
	[sflag:s0] =	ssyncset.done @!p0 $0x0  }
0xc0: {  	[sflag:s0] =	ssyncadd.s32 @!p0 s1  }
0xc1: {  	[bflag:$0x3] =	sbarrier.arrive $0xFFFF  }
0xc2: {  	_ =	shalt  }

// kernel: kernel.4.cloned.1.call-start
scs
__scs_entry_jumppad:
0x0: {  	(pc) =	sbr.rel $0x88, $3  }
0x1: {  	(tag) =	ssettag $0x0;
	lr =	simm.s32 $0x1  }
0x2: {  	[smem:$0x3F9F] =	sst lr;
	_ =	strace $0xD0000000  }
0x3: {  	_ = 	snop  }
0x4: {  	_ = 	snop  }
0x5: {  	_ = 	snop  }
0x6: {  	_ = 	snop  }
0x7: {  	_ = 	snop  }
__scs_overlays_trampoline_lowered:
0x8: {  	[smem:$0x3FAE] =	sst s0  }
0x9: {  	[smem:$0x3FAF] =	sst s1  }
0xa: {  	[smem:$0x3FB0] =	sst s2  }
0xb: {  	[smem:$0x3FB1] =	sst s3  }
0xc: {  	[smem:$0x3FB2] =	sst s4  }
0xd: {  	[smem:$0x3FB3] =	sst s5  }
0xe: {  	[smem:$0x3FB4] =	sst s6  }
0xf: {  	[smem:$0x3FB5] =	sst s7  }
0x10: {  	[smem:$0x3FB6] =	sst s8  }
0x11: {  	[smem:$0x3FB7] =	sst s9;
	s0 =	simm.s32 @!p0 $0x0  }
0x12: {  	s1 =	sld [smem:$0x3F9D];
	s0 =	simm.s32 @p0 $0x1  }
0x13: {  	[smem:$0x3FB8] =	sst s0;
	s0 =	simm.s32 @!p1 $0x0  }
0x14: {  	s2 =	sld [smem:$0x3F9C];
	s0 =	simm.s32 @p1 $0x1  }
0x15: {  	[smem:$0x3FB9] =	sst s0;
	s0 =	simm.s32 @!p2 $0x0  }
0x16: {  	s3 =	sld [smem:$0x3FDB];
	s0 =	simm.s32 @p2 $0x1  }
0x17: {  	s4 =	simm.s32 $0x1BF5;
	[smem:$0x3FBB] =	sst s0  }
0x18: {  	s0 =	sld [smem:$0x3F9E];
	_ =	swait.ge [sflag:s4], $0x0  }
0x19: {  	s7 =	sld [smem:$0x3F9F]  }
0x1a: {  	s8 =	sadd.s32 $0xFFFFE003, lr  }
0x1b: {  	s9 =	sadd.s32 $0xFFFFFEF7, lr;
	s5 =	simm.s32 $0xFFFFFFFF;
	p2 =	slt.u32 s8, $0xFFFFF086  }
0x1c: {  	p1 =	slt.u32 s9, $0xF7A;
	s5 =	simm.s32 @!p2 $0x0  }
0x1d: {  	s5 =	simm.s32 @p1 $0x1;
	p0 =	seq.s32 s7, s2  }
0x1e: {  	s7 =	smul.u32 @!p0 $0xF7A, s2;
	p2 =	seq.s32 @!p0 s5, $0x0  }
0x1f: {  	s9 =	smul.u32 $0xF7A, s1;
	s8 =	simm.s32 @!p0 $0x1BF5;
	p2 =	por !p2, p0  }
0x20: {  	[sflag:s8] =	ssyncset.s32 @!p0 $0xFFFFF086;
	s6 =	sadd.s32 @!p0 s3, s7;
	s7 =	simm.s32 @!p0 $0x108  }
0x21: {  	s3 =	sadd.s32 s3, s9;
	s6 =	sadd.s32 @!p0 $0x88, s6;
	s7 =	simm.s32 @p2 $0x1082  }
0x22: {  	[simem:s7], [sflag:s8] =	dma.local @!p0 [hbm:s6], $0xF7A  }
0x23: {  	s9 =	sor.u32 $0xD0000000, s2;
	s6 =	simm.s32 $0x108;
	_ =	swait.ge @!p0 [sflag:s8], $0x0  }
0x24: {  	s3 =	sadd.s32 $0x88, s3;
	s6 =	simm.s32 @!p1 $0x1082;
	[sflag:s4] =	ssyncset.s32 $0xFFFFF086  }
0x25: {  	[simem:s6], [sflag:s4] =	dma.local [hbm:s3], $0xF7A  }
0x26: {  	[smem:$0x3F9F] =	sst s1;
	(tag) =	ssettag s2;
	_ =	strace s9  }
0x27: {  	s1 =	sld [smem:$0x3FAF]  }
0x28: {  	s2 =	sld [smem:$0x3FB0]  }
0x29: {  	s4 =	sld [smem:$0x3FB2]  }
0x2a: {  	p0 =	seq.s32 s5, $0x0;
	s5 =	sld [smem:$0x3FB3]  }
0x2b: {  	s6 =	sld [smem:$0x3FB4]  }
0x2c: {  	s7 =	sld [smem:$0x3FB5]  }
0x2d: {  	s3 =	simm.s32 $0x108;
	s8 =	sld [smem:$0x3FB6]  }
0x2e: {  	s3 =	simm.s32 @!p0 $0x1082;
	s9 =	sld [smem:$0x3FB7]  }
0x2f: {  	lr =	sadd.s32 s0, s3;
	s0 =	sld [smem:$0x3FAE]  }
0x30: {  	s3 =	sld [smem:$0x3FB1]  }
0x31: {  	[smem:$0x3FBA] =	sst s10  }
0x32: {  	s10 =	sld [smem:$0x3FB8];
	_ =	sdelay $0x3  }
0x33: {  	p0 =	seq.s32 s10, $0x1;
	s10 =	sld [smem:$0x3FBA];
	_ =	sdelay $0x3  }
0x34: {  	[smem:$0x3FBA] =	sst s10  }
0x35: {  	s10 =	sld [smem:$0x3FB9];
	_ =	sdelay $0x3  }
0x36: {  	p1 =	seq.s32 s10, $0x1;
	s10 =	sld [smem:$0x3FBA];
	_ =	sdelay $0x3  }
0x37: {  	[smem:$0x3FBA] =	sst s10  }
0x38: {  	s10 =	sld [smem:$0x3FBB]  }
0x39: {  	_ = 	snop;
	(pc) =	sbr.ind lr, $3  }
0x3a: {  	_ = 	snop  }
0x3b: {  	_ = 	snop  }
0x3c: {  	p2 =	seq.s32 s10, $0x1;
	s10 =	sld [smem:$0x3FBA]  }
0x3d: {  	_ =	shalt  }
0x3e: {  	_ =	shalt  }
0x3f: {  	_ =	shalt  }
0x40: {  	_ =	shalt  }
0x41: {  	_ =	shalt  }
0x42: {  	_ =	shalt  }
0x43: {  	_ =	shalt  }
0x44: {  	_ =	shalt  }
0x45: {  	_ =	shalt  }
0x46: {  	_ =	shalt  }
0x47: {  	_ =	shalt  }
0x48: {  	_ =	shalt  }
0x49: {  	_ =	shalt  }
0x4a: {  	_ =	shalt  }
0x4b: {  	_ =	shalt  }
0x4c: {  	_ =	shalt  }
0x4d: {  	_ =	shalt  }
0x4e: {  	_ =	shalt  }
0x4f: {  	_ =	shalt  }
0x50: {  	_ =	shalt  }
0x51: {  	_ =	shalt  }
0x52: {  	_ =	shalt  }
0x53: {  	_ =	shalt  }
0x54: {  	_ =	shalt  }
0x55: {  	_ =	shalt  }
0x56: {  	_ =	shalt  }
0x57: {  	_ =	shalt  }
0x58: {  	_ =	shalt  }
0x59: {  	_ =	shalt  }
0x5a: {  	_ =	shalt  }
0x5b: {  	_ =	shalt  }
0x5c: {  	_ =	shalt  }
0x5d: {  	_ =	shalt  }
0x5e: {  	_ =	shalt  }
0x5f: {  	_ =	shalt  }
0x60: {  	_ =	shalt  }
0x61: {  	_ =	shalt  }
0x62: {  	_ =	shalt  }
0x63: {  	_ =	shalt  }
0x64: {  	_ =	shalt  }
0x65: {  	_ =	shalt  }
0x66: {  	_ =	shalt  }
0x67: {  	_ =	shalt  }
0x68: {  	_ =	shalt  }
0x69: {  	_ =	shalt  }
0x6a: {  	_ =	shalt  }
0x6b: {  	_ =	shalt  }
0x6c: {  	_ =	shalt  }
0x6d: {  	_ =	shalt  }
0x6e: {  	_ =	shalt  }
0x6f: {  	_ =	shalt  }
0x70: {  	_ =	shalt  }
0x71: {  	_ =	shalt  }
0x72: {  	_ =	shalt  }
0x73: {  	_ =	shalt  }
0x74: {  	_ =	shalt  }
0x75: {  	_ =	shalt  }
0x76: {  	_ =	shalt  }
0x77: {  	_ =	shalt  }
0x78: {  	_ =	shalt  }
0x79: {  	_ =	shalt  }
0x7a: {  	_ =	shalt  }
0x7b: {  	_ =	shalt  }
0x7c: {  	_ =	shalt  }
0x7d: {  	_ =	shalt  }
0x7e: {  	_ =	shalt  }
0x7f: {  	_ =	shalt  }
0x80: {  	_ =	shalt  }
0x81: {  	_ =	shalt  }
0x82: {  	_ =	shalt  }
0x83: {  	_ =	shalt  }
0x84: {  	_ =	shalt  }
0x85: {  	_ =	shalt  }
0x86: {  	_ =	shalt  }
0x87: {  	_ =	shalt  }
.Lfunc_end0:
.L_simem_size_0:
called_computation.1_lowered:
.L_overlay_start_0:
0x88: {  	s2 =	sld [smem:$0x3FD9]  }
0x89: {  	s3 =	sld [smem:$0x3FFE];
	_ =	sdelay $0x1  }
0x8a: {  	s1 =	srdreg.scid  }
0x8b: {  	s0 =	sand.u32 $0x1, s1  }
0x8c: {  	s16 =	sshll.u32 s0, $0xA;
	s2 =	sadd.s32 s3, s2  }
0x8d: {  	s2 =	sadd.s32 s2, s16  }
0x8e: {  	[smem:$0x3FC6] =	sst s2  }
0x8f: {  	_ = 	snop  }
0x90: {  	(tm) =	ssettm $0x1  }
0x91: {  	s17 =	sld [smem:$0x3FFB];
	_ =	sdelay $0x3  }
0x92: {  	_ =	strace s17  }
0x93: {  	s2 =	sld [smem:$0x3FFC];
	_ =	sdelay $0x3  }
0x94: {  	_ =	strace s2  }
0x95: {  	s2 =	sld [smem:$0x3FFD];
	_ =	sdelay $0x3  }
0x96: {  	_ =	strace s2  }
0x97: {  	_ =	strace $0x8FFFFFFF  }
0x98: {  	s18 =	sld [smem:$0x3FDB];
	_ =	sdelay $0x1  }
0x99: {  	s19 =	simm.s32 $_scs_section_size  }
0x9a: {  	s4 =	simm.s32 $_size__tile_overlayer_lowered;
	s5 =	simm.s32 $_tile_overlayer_lowered  }
0x9b: {  	s22 =	simm.s32 $0x1BFF;
	s21 =	sshll.u32 s5, $0x1;
	s2 =	sadd.s32 s19, s18  }
0x9c: {  	s6 =	simm.s32 $0x0;
	s20 =	sshll.u32 s4, $0x1;
	s4 =	sadd.s32 s21, s2  }
0x9d: {  	[timem:s6], [sflag:s22] =	dma.local [hbm:s4], s20  }
0x9e: {  	_ =	swait.ge [sflag:s22], s20  }
0x9f: {  	s3 =	ssub.s32 $0x0, s20;
	[sflag:s22] =	ssyncset.done $0x0  }
0xa0: {  	[sflag:s22] =	ssyncadd.s32 s3;
	_ =	sdelay $0x1  }
0xa1: {  	s23 =	simm.s32 $0x1B8B  }
0xa2: {  	_ =	swait.ge [sflag:s23], $0x1  }
0xa3: {  	[sflag:s23] =	ssyncset.done $0x0  }
0xa4: {  	s25 =	simm.s32 $0x1B8E;
	s24 =	sld [smem:$0x3FFE];
	[sflag:s23] =	ssyncadd.s32 $0xFFFFFFFF  }
0xa5: {  	s26 =	simm.s32 $execute0_lowered;
	[smem:$0x3FD2] =	sst s25  }
0xa6: {  	s4 =	sshll.u32 s26, $0x1;
	_ =	strace $0x80000049;
	[dreg:$0x1] =	wrdreg $0xFFFFFFFF  }
0xa7: {  	s28 =	simm.s32 $_size_execute0_lowered;
	s2 =	sadd.s32 s2, s4;
	[dreg:$0x0] =	wrdreg $0x0  }
0xa8: {  	s4 =	sshll.u32 s28, $0x1;
	[dreg:$0x2] =	wrdreg s2  }
0xa9: {  	[dreg:$0x3] =	wrdreg s4  }
0xaa: {  	[dreg:$0x4] =	wrdreg $0xC0  }
0xab: {  	_ =	task [dreg:s6], $0x5FFFF  }
0xac: {  	[dreg:$0x1] =	wrdreg $0xFFFFFFFF  }
0xad: {  	[dreg:$0x0] =	wrdreg $0x60  }
0xae: {  	[dreg:$0x2] =	wrdreg s24  }
0xaf: {  	[dreg:$0x3] =	wrdreg $0x9  }
0xb0: {  	_ =	task.clear_ibuf [dreg:s6], $0x4FFFF;
	_ =	strace $0x90000049  }
0xb1: {  	s29 =	simm.s32 $0x9;
	_ =	strace $0x8000004B  }
0xb2: {  	_ =	swait.ge [sflag:s29], $0x1  }
0xb3: {  	[sflag:s29] =	ssyncadd.s32 $0xFFFFFFFF  }
0xb4: {  	_ =	strace $0x9000004B  }
0xb5: {  	_ =	sfence  }
0xb6: {  	s30 =	sld [smem:$0x0];
	_ =	sdelay $0x2  }
0xb7: {  	s31 =	sshll.u32 s1, $0xD;
	s1 =	sshrl.u32 s1, $0x2  }
0xb8: {  	s3 =	sand.u32 $0x4000, s31;
	s1 =	sadd.s32 s1, s30  }
0xb9: {  	s0 =	sor.u32 s3, s0;
	s1 =	sshll.u32 s1, $0x11  }
0xba: {  	s0 =	sor.u32 s1, s0  }
0xbb: {  	s0 =	sadd.s32 $0x8F2B, s0  }
0xbc: {  	[sflag:s0] =	ssyncadd.remote.s32 $0x1  }
0xbd: {  	_ =	sfence.sel $0xFFFF  }
0xbe: {  	[dreg:$0x0] =	wrdreg $0xFFFFFFFF;
	(pc) =	sbr.abs _section_cstart, $3  }
0xbf: {  	[dreg:$0x1] =	wrdreg $0xFFFFFFFF  }
0xc0: {  	_ =	task.clear_ibuf [dreg:s6], $0x2FFFF;
	_ =	strace $0x9FFFFFFF  }
0xc1: {  	(tm) =	ssettm $0x7FFFFFFF  }
tec
execute0_lowered:
.L_overlay_start_1:
0x0: {  	(tag) =	ssettag $0x1  }
0x1: {  	s0 =	srdreg.scid  }
0x2: {  	s1 =	stileid.u32;
	s4 =	sand.u32 $0x1, s0  }
0x3: {  	s3 =	sor.u32 s1, s4  }
0x4: {  	p0 =	sne.s32 s3, $0x0  }
.Ltmp0:
0x5: {  	_ = 	snop;
	(pc) =	sbr.rel @p0 .LBB2_13-.Ltmp0, $4  }
0x6: {  	_ = 	snop  }
0x7: {  	s6 =	rddreg [dreg:$0x0];
	s2 =	simm.s32 $0x0  }
0x8: {  	[smem:$0x7FF] =	sst s2  }
0x9: {  	s0 =	rddreg [dreg:$0x1];
	_ =	strace $0x8000004A  }
0xa: {  	v0 =	vimm.s32 $0x0;
	vm0 =	vcmask $0x300  }
0xb: {  	vm8 =	vcmask $0x704;
	v0 =	vsel vm0, $0x1380, v0  }
0xc: {  	vm9 =	vcmask $0xB08;
	v0 =	vsel vm8, $0x1381, v0  }
0xd: {  	vm10 =	vcmask $0xF0C;
	v0 =	vsel vm9, $0x1382, v0  }
0xe: {  	s3 =	sadd.s32 $0x1600, s6;
	s7 =	ssub.s32 $0x2, s4;
	vm11 =	vcmask $0x1310;
	v0 =	vsel vm10, $0x1383, v0  }
0xf: {  	s4 =	sadd.s32 $0x29600, s6;
	s5 =	sadd.s32 $0x29A00, s6;
	vm12 =	vcmask $0x1714;
	s6 =	sadd.s32 $0x29E00, s6;
	vm13 =	vcmask $0x1B18;
	v0 =	vsel vm11, $0x1384, v0  }
0x10: {  	s9 =	simm.s32 $0x400;
	s10 =	simm.s32 $0x2800;
	s11 =	simm.s32 $0x1;
	vm15 =	vmmov $0xff;
	v3 =	vimm.s32 $0x0;
	v1 =	vsel vm12, $0x1385, v0  }
0x11: {  	vm14 =	vcmask $0x1F1C;
	s12 =	simm.s32 $0x1400;
	s13 =	simm.s32 $0x3C00;
	s8 =	sshrl.u32 s7, $0x1;
	v3 =	vsel vm15, $0xFFFFFFFF, v3;
	v1 =	vsel vm13, $0x1386, v1  }
0x12: {  	v2 =	vimm.s32 $0xFFFFFFFF;
	s14 =	simm.s32 $0x0;
	s7 =	ssub.s32 s7, s8;
	s8 =	simm.s32 $0x80;
	[tilespmem:$0x1FFF0] =	vst v3;
	v0 =	vlaneseq.u32;
	v1 =	vsel vm14, $0x1387, v1  }
.LBB2_2:
0x13: {  	s15 =	simm.s32 $0x70  }
0x14: {  	s16 =	simm.s32 $0x10;
	v3 =	vor.u32 s15, v0  }
0x15: {  	s26 =	simm.s32 $0x20;
	v4 =	vor.u32 s16, v0;
	vm0 =	vlt.u32 v3, $0x1388  }
0x16: {  	s28 =	simm.s32 $0x30;
	s15 =	simm.s32 $0x40;
	v5 =	vor.u32 s26, v0;
	vm3 =	vlt.u32 v4, $0x1388;
	v3 =	vnsel vm0, $0x0, v3  }
0x17: {  	s29 =	simm.s32 $0x40;
	v6 =	vor.u32 s28, v0;
	v4 =	vnsel vm3, $0x0, v4;
	vm0 =	vlt.u32 v5, $0x1388;
	[tilespmem:s15+$0x30] =	vst v3  }
0x18: {  	s30 =	simm.s32 $0x50;
	[tilespmem:s15+$0xFFFFFFD0] =	vst v4;
	v3 =	vnsel vm0, $0x0, v5;
	vm0 =	vlt.u32 v6, $0x1388;
	v4 =	vor.u32 s29, v0  }
0x19: {  	s31 =	simm.s32 $0x60;
	v5 =	vor.u32 s30, v0;
	[tilespmem:s15+$0xFFFFFFE0] =	vst v3;
	v3 =	vnsel vm0, $0x0, v6;
	vm0 =	vlt.u32 v4, $0x1388  }
0x1a: {  	s19 =	simm.s32 $0x0;
	[tilespmem:s15+$0xFFFFFFF0] =	vst v3;
	v6 =	vnsel vm0, $0x0, v4;
	vm0 =	vlt.u32 v5, $0x1388;
	v4 =	vor.u32 s31, v0  }
0x1b: {  	s18 =	simm.s32 $0xF0;
	s17 =	simm.s32 $0x100;
	s16 =	simm.s32 $0x80;
	v3 =	vor.u32 s19, v0;
	[tilespmem:s15+$0x0] =	vst v6;
	v5 =	vnsel vm0, $0x0, v5;
	vm0 =	vlt.u32 v4, $0x1388  }
.LBB2_3:
0x1c: {  	p0 =	slt.u32 s17, $0x1300;
	s19 =	sadd.s32 $0x10, s16;
	v6 =	vor.u32 s18, v0;
	vm3 =	vlt.u32 v3, $0x1388;
	[tilespmem:s15+$0x10] =	vst v5;
	v4 =	vnsel vm0, $0x0, v4  }
0x1d: {  	s18 =	sadd.s32 $0x20, s16;
	v5 =	vor.u32 s19, v0;
	vm0 =	vlt.u32 v6, $0x1388;
	v3 =	vnsel vm3, $0x0, v3;
	[tilespmem:s15+$0x20] =	vst v4  }
0x1e: {  	v4 =	vor.u32 s18, v0;
	s18 =	sadd.s32 $0x30, s16;
	vm3 =	vlt.u32 v5, $0x1388;
	v6 =	vnsel vm0, $0x0, v6;
	[tilespmem:s15+$0xFFFFFFC0] =	vst v3;
	s15 =	sadd.s32 $0x80, s15  }
.Ltmp1:
0x1f: {  	vm0 =	vlt.u32 v4, $0x1388;
	v3 =	vnsel vm3, $0x0, v5;
	v5 =	vor.u32 s18, v0;
	s18 =	sadd.s32 $0x40, s16;
	[tilespmem:s15+$0x30] =	vst v6;
	(pc) =	sbr.rel @p0 .LBB2_3-.Ltmp1, $4  }
0x20: {  	[tilespmem:s15+$0xFFFFFFD0] =	vst v3;
	v3 =	vnsel vm0, $0x0, v4;
	vm0 =	vlt.u32 v5, $0x1388;
	v4 =	vor.u32 s18, v0;
	s18 =	sadd.s32 $0x50, s16  }
0x21: {  	[tilespmem:s15+$0xFFFFFFE0] =	vst v3;
	v3 =	vnsel vm0, $0x0, v5;
	vm0 =	vlt.u32 v4, $0x1388;
	v5 =	vor.u32 s18, v0;
	s18 =	sadd.s32 $0x60, s16  }
0x22: {  	[tilespmem:s15+$0xFFFFFFF0] =	vst v3;
	v6 =	vnsel vm0, $0x0, v4;
	vm0 =	vlt.u32 v5, $0x1388;
	v4 =	vor.u32 s18, v0  }
0x23: {  	s18 =	sadd.s32 $0x70, s17;
	v3 =	vor.u32 s16, v0;
	s16 =	smov.u32 s17;
	s17 =	sadd.s32 $0x80, s17;
	[tilespmem:s15+$0x0] =	vst v6;
	v5 =	vnsel vm0, $0x0, v5;
	vm0 =	vlt.u32 v4, $0x1388  }
0x24: {  	v6 =	vor.u32 s18, v0;
	vm3 =	vlt.u32 v3, $0x1388;
	[tilespmem:s15+$0x10] =	vst v5;
	v4 =	vnsel vm0, $0x0, v4  }
0x25: {  	s17 =	sadd.s32 $0x10, s16;
	v62 =	vor.u32 s16, v0;
	vm8 =	vlt.u32 v6, $0x1388;
	v3 =	vnsel vm3, $0x0, v3;
	[tilespmem:s15+$0x20] =	vst v4  }
0x26: {  	s25 =	sadd.s32 $0x20, s16;
	s28 =	sadd.s32 $0x80, s15;
	v56 =	vor.u32 s17, v0;
	vm15 =	vlt.u32 v62, $0x1388;
	v6 =	vnsel vm8, $0x0, v6;
	[tilespmem:s15+$0xFFFFFFC0] =	vst v3  }
0x27: {  	s26 =	sadd.s32 $0x30, s16;
	v57 =	vor.u32 s25, v0;
	vm9 =	vlt.u32 v56, $0x1388;
	v63 =	vnsel vm15, $0x0, v62;
	[tilespmem:s28+$0x30] =	vst v6  }
0x28: {  	s29 =	sadd.s32 $0x40, s16;
	v58 =	vor.u32 s26, v0;
	vm10 =	vlt.u32 v57, $0x1388;
	v3 =	vnsel vm9, $0x0, v56;
	[tilespmem:s28+$0xFFFFFFC0] =	vst v63  }
0x29: {  	s30 =	sadd.s32 $0x50, s16;
	v59 =	vor.u32 s29, v0;
	vm11 =	vlt.u32 v58, $0x1388;
	[tilespmem:s28+$0xFFFFFFD0] =	vst v3;
	v3 =	vnsel vm10, $0x0, v57  }
0x2a: {  	s31 =	sadd.s32 $0x60, s16;
	v60 =	vor.u32 s30, v0;
	vm12 =	vlt.u32 v59, $0x1388;
	[tilespmem:s28+$0xFFFFFFE0] =	vst v3;
	v3 =	vnsel vm11, $0x0, v58  }
0x2b: {  	v61 =	vor.u32 s31, v0;
	vm13 =	vlt.u32 v60, $0x1388;
	[tilespmem:s28+$0xFFFFFFF0] =	vst v3;
	v3 =	vnsel vm12, $0x0, v59  }
0x2c: {  	vm14 =	vlt.u32 v61, $0x1388;
	[tilespmem:s28+$0x0] =	vst v3;
	v3 =	vnsel vm13, $0x0, v60  }
0x2d: {  	[tilespmem:s28+$0x10] =	vst v3;
	v3 =	vnsel vm14, $0x0, v61  }
0x2e: {  	[tilespmem:s28+$0x20] =	vst v3  }
0x2f: {  	s15 =	simm.s32 $0x1440;
	[tilespmem:$0x1380] =	vst v1  }
0x30: {  	[tilespmem:s15+$0xFFFFFFC0] =	vst v2  }
0x31: {  	[tilespmem:s15+$0x30] =	vst v2  }
0x32: {  	[tilespmem:s15+$0x20] =	vst v2  }
0x33: {  	[tilespmem:s15+$0x10] =	vst v2  }
0x34: {  	[tilespmem:s15+$0x0] =	vst v2  }
0x35: {  	[tilespmem:s15+$0xFFFFFFF0] =	vst v2  }
0x36: {  	s16 =	simm.s32 $0x0;
	[tilespmem:s15+$0xFFFFFFE0] =	vst v2  }
.LBB2_5:
0x37: {  	s16 =	sadd.s32 $0x80, s16;
	[tilespmem:s15+$0xFFFFFFD0] =	vst v2;
	s15 =	sadd.s32 $0x80, s15  }
0x38: {  	[tilespmem:s15+$0xFFFFFFC0] =	vst v2;
	p0 =	slt.u32 s16, $0x1380  }
0x39: {  	[tilespmem:s15+$0x30] =	vst v2  }
.Ltmp2:
0x3a: {  	[tilespmem:s15+$0x20] =	vst v2;
	(pc) =	sbr.rel @p0 .LBB2_5-.Ltmp2, $4  }
0x3b: {  	[tilespmem:s15+$0x10] =	vst v2  }
0x3c: {  	[tilespmem:s15+$0x0] =	vst v2  }
0x3d: {  	[tilespmem:s15+$0xFFFFFFF0] =	vst v2  }
0x3e: {  	[tilespmem:s15+$0xFFFFFFE0] =	vst v2  }
0x3f: {  	[tilespmem:s15+$0xFFFFFFD0] =	vst v2;
	s15 =	simm.s32 $0x0;
	s16 =	simm.s32 $0x0  }
.LBB2_7:
0x40: {  	s17 =	sshrl.u32 s16, $0x3  }
0x41: {  	s18 =	sshll.u32 s16, $0x7;
	s17 =	smul.u32 $0xA000, s17  }
0x42: {  	s18 =	sand.u32 $0x380, s18  }
0x43: {  	s17 =	sor.u32 s18, s17  }
0x44: {  	s17 =	sshrl.u32 s17, $0x3  }
0x45: {  	v3 =	vmov s16;
	s17 =	sadd.s32 s3, s17  }
0x46: {  	[tilespmem:s10], [sflag:$0x1] =	stream.strided.gather [hbm4b:s17+s8], $0x1400, s9, s8, $0x38;
	[tilespmem:$0x3C80] =	vst v63  }
0x47: {  	_ =	swait.ge [sflag:s11], $0x1400  }
0x48: {  	[sflag:s11] =	ssyncset.done $0x0  }
0x49: {  	[sflag:s11] =	ssyncadd.s32 $0xFFFFEC00  }
0x4a: {  	s26 =	simm.s32 $0x2840;
	v4 =	vld.idx.msk [tilespmem:v3+s15+$0x0], $0xffff  }
0x4b: {  	s25 =	sand.u32 $0xC0, s16;
	s28 =	simm.s32 $0x40;
	s29 =	simm.s32 $0x40;
	v9 =	vld [tilespmem:s26+$0x0]  }
0x4c: {  	s20 =	simm.s32 $0x70;
	s21 =	simm.s32 $0x30;
	s30 =	simm.s32 $0x60;
	v12 =	vor.u32 s15, v0;
	v19 =	vimm.s32 $0x0;
	v10 =	vor.u32 s29, v0;
	v6 =	vld [tilespmem:s28+$0xFFFFFFE0]  }
0x4d: {  	s31 =	simm.s32 $0x10;
	s23 =	simm.s32 $0x20;
	s19 =	sor.u32 $0x1, s25;
	v11 =	vor.u32 s20, v0;
	v13 =	vor.u32 s21, v0;
	v14 =	vor.u32 s30, v0;
	v8 =	vld [tilespmem:s28+$0x0]  }
0x4e: {  	s22 =	simm.s32 $0x50;
	v15 =	vor.u32 s31, v0;
	v17 =	vor.u32 s23, v0;
	v5 =	vmov s19;
	v16 =	vld [tilespmem:s26+$0xFFFFFFC0]  }
0x4f: {  	v18 =	vor.u32 s22, v0;
	vm10 =	vlt.u32 v12, $0x1388;
	vm8 =	vge.u32 v12, v5;
	v12 =	vld [tilespmem:s26+$0x30]  }
0x50: {  	vm7 =	vlt.u32 v10, $0x1388;
	vm1 =	vlt.u32 v18, $0x1388;
	vm2 =	vlt.u32 v11, $0x1388;
	v7 =	vld [tilespmem:s28+$0xFFFFFFC0]  }
0x51: {  	vm5 =	vlt.u32 v15, $0x1388;
	vm4 =	vge.u32 v10, v5;
	v19 =	vsel vm1, $0xFFFFFFFF, v19;
	v10 =	vld [tilespmem:s26+$0xFFFFFFE0]  }
0x52: {  	vm0 =	vge.u32 v11, v5;
	vm12 =	vge.u32 v13, v5;
	vm3 =	vge.f32 v9, $0.0e+00;
	v9 =	vld [tilespmem:s26+$0x20];
	[tilespmem:$0x1FFE0] =	vst v19  }
0x53: {  	vm6 =	vge.u32 v18, v5;
	vm13 =	vge.u32 v14, v5;
	vm15 =	vge.u32 v15, v5;
	v19 =	vld [tilespmem:s26+$0xFFFFFFD0]  }
0x54: {  	vm11 =	vge.f32 v16, $0.0e+00;
	vm1 =	vge.f32 v12, $0.0e+00;
	vm9 =	vmand vm4, vm3;
	v15 =	vld [tilespmem:s26+$0xFFFFFFF0]  }
0x55: {  	vm8 =	vmand vm8, vm11;
	vm11 =	vlt.u32 v17, $0x1388;
	v63 =	vld [tilespmem:s26+$0x10];
	vm9 =	vmand vm7, vm9  }
0x56: {  	v11 =	vld [tilespmem:s28+$0x20];
	vm7 =	vmand vm10, vm8;
	vm8 =	vge.u32 v17, v5;
	vm10 =	vge.f32 v10, $0.0e+00  }
0x57: {  	v12 =	vld [tilespmem:s28+$0x10];
	vm8 =	vmand vm8, vm10;
	vm10 =	vlt.u32 v13, $0x1388;
	vm14 =	vge.f32 v9, $0.0e+00  }
0x58: {  	v10 =	vld [tilespmem:s28+$0xFFFFFFD0];
	vm13 =	vmand vm13, vm14;
	vm14 =	vmand vm0, vm1;
	vm0 =	vge.f32 v19, $0.0e+00  }
0x59: {  	v13 =	vld [tilespmem:s28+$0x30];
	vm8 =	vmand vm11, vm8;
	vm1 =	vge.f32 v15, $0.0e+00;
	vm11 =	vmand vm15, vm0  }
0x5a: {  	s20 =	simm.s32 $0x80;
	s18 =	simm.s32 $0xC0;
	s17 =	simm.s32 $0x28C0;
	v9 =	vld [tilespmem:s28+$0xFFFFFFF0];
	vm15 =	vlt.u32 v14, $0x1388;
	vm0 =	vmand vm12, vm1;
	vm12 =	vge.f32 v63, $0.0e+00  }
.LBB2_8:
0x5b: {  	_ =	sdelay $0x2  }
0x5c: {  	v15 =	vld [tilespmem:s18+$0xFFFFFFE0]  }
0x5d: {  	[tilespmem:v6+s12+$0x0] =	vst.idx.msk vm8, v3;
	v6 =	vld [tilespmem:$0x1FFE0];
	_ =	sdelay $0x1  }
0x5e: {  	vm12 =	vmand vm6, vm12  }
0x5f: {  	s21 =	sadd.s32 $0x40, s20;
	s22 =	sadd.s32 $0x70, s20;
	vm6 =	vmand vm2, vm14;
	s23 =	smov.u32 s20;
	v25 =	vimm.s32 $0x0;
	v62 =	vimm.s32 $0x0  }
0x60: {  	s24 =	sadd.s32 $0x30, s23;
	v16 =	vor.u32 s21, v0;
	v17 =	vor.u32 s22, v0;
	v18 =	vor.u32 s23, v0  }
0x61: {  	v14 =	vld [tilespmem:s17+$0x0];
	s25 =	sadd.s32 $0x60, s23;
	s31 =	sadd.s32 $0x10, s23;
	v19 =	vor.u32 s24, v0;
	[tilespmem:v8+s12+$0x0] =	vst.idx.msk vm9, v3;
	vm9 =	vmand vm15, vm13;
	vm2 =	vnez.u8 v6  }
0x62: {  	v60 =	vld [tilespmem:s17+$0x20];
	s30 =	sadd.s32 $0x50, s23;
	s23 =	sadd.s32 $0x20, s23;
	v20 =	vor.u32 s25, v0;
	v21 =	vor.u32 s31, v0;
	vm8 =	vmand vm2, vm12  }
0x63: {  	v63 =	vld [tilespmem:s17+$0x10];
	v22 =	vor.u32 s23, v0;
	[tilespmem:v7+s12+$0x0] =	vst.idx.msk vm7, v3;
	vm7 =	vmand vm10, vm0;
	vm0 =	vge.u32 v17, v5  }
0x64: {  	v61 =	vld [tilespmem:s17+$0xFFFFFFE0];
	v24 =	vor.u32 s30, v0;
	vm1 =	vge.u32 v16, v5;
	v25 =	vsel vm0, $0xFFFFFFFF, v25  }
0x65: {  	vm14 =	vge.u32 v18, v5;
	vm3 =	vge.u32 v21, v5;
	vm10 =	vmand vm5, vm11;
	v23 =	vld [tilespmem:s17+$0xFFFFFFC0];
	[tilespmem:$0x1FFD0] =	vst v25  }
0x66: {  	vm4 =	vlt.u32 v22, $0x1388;
	vm13 =	vlt.u32 v16, $0x1388;
	vm0 =	vge.f32 v14, $0.0e+00;
	v14 =	vld [tilespmem:s17+$0x30];
	[tilespmem:v13+s12+$0x0] =	vst.idx.msk vm6, v3  }
0x67: {  	vm11 =	vlt.u32 v17, $0x1388;
	vm5 =	vlt.u32 v21, $0x1388;
	vm15 =	vlt.u32 v20, $0x1388;
	v8 =	vld [tilespmem:s18+$0x0];
	[tilespmem:v11+s12+$0x0] =	vst.idx.msk vm9, v3  }
0x68: {  	vm12 =	vge.u32 v19, v5;
	vm0 =	vmand vm1, vm0;
	vm2 =	vlt.u32 v24, $0x1388;
	[tilespmem:v12+s12+$0x0] =	vst.idx.msk vm8, v3;
	v12 =	vld [tilespmem:$0x1FFD0]  }
0x69: {  	vm1 =	vlt.u32 v18, $0x1388;
	v13 =	vld [tilespmem:s17+$0xFFFFFFD0];
	vm6 =	vge.u32 v24, v5;
	v11 =	vsel vm2, $0xFFFFFFFF, v62;
	[tilespmem:v9+s12+$0x0] =	vst.idx.msk vm7, v3  }
0x6a: {  	v6 =	vmovc v15;
	vm2 =	vge.u32 v20, v5;
	vm7 =	vge.f32 v23, $0.0e+00;
	vm9 =	vmand vm13, vm0;
	v15 =	vld [tilespmem:s17+$0xFFFFFFF0]  }
0x6b: {  	p0 =	slt.u32 s20, $0x1300;
	v7 =	vld [tilespmem:s18+$0xFFFFFFC0];
	[tilespmem:v10+s12+$0x0] =	vst.idx.msk vm10, v3;
	vm0 =	vge.f32 v14, $0.0e+00;
	vm10 =	vlt.u32 v19, $0x1388;
	vm7 =	vmand vm14, vm7  }
.Ltmp3:
0x6c: {  	[tilespmem:$0x1FFE0] =	vst v11;
	v11 =	vld [tilespmem:s18+$0x20];
	vm7 =	vmand vm1, vm7;
	vm1 =	vge.u32 v22, v5;
	vm8 =	vge.f32 v61, $0.0e+00;
	(pc) =	sbr.rel @p0 .LBB2_8-.Ltmp3, $4  }
0x6d: {  	vm13 =	vge.f32 v60, $0.0e+00;
	v9 =	vld [tilespmem:s18+$0xFFFFFFF0];
	vm1 =	vmand vm1, vm8;
	vm8 =	vnez.u8 v12  }
0x6e: {  	v10 =	vld [tilespmem:s18+$0xFFFFFFD0];
	vm13 =	vmand vm2, vm13;
	vm2 =	vmmov vm11;
	vm14 =	vmand vm8, vm0  }
0x6f: {  	s19 =	sadd.s32 $0x80, s20;
	v12 =	vld [tilespmem:s18+$0x10];
	vm0 =	vge.f32 v13, $0.0e+00;
	vm8 =	vmand vm4, vm1;
	vm1 =	vge.f32 v15, $0.0e+00  }
0x70: {  	s20 =	smov.u32 s19;
	s17 =	sadd.s32 $0x80, s17;
	v13 =	vld [tilespmem:s18+$0x30];
	s18 =	sadd.s32 $0x80, s18;
	vm11 =	vmand vm3, vm0;
	vm0 =	vmand vm12, vm1;
	vm12 =	vge.f32 v63, $0.0e+00  }
0x71: {  	_ =	sdelay $0x4  }
0x72: {  	[tilespmem:v8+s12+$0x0] =	vst.idx.msk vm9, v3  }
0x73: {  	[tilespmem:v7+s12+$0x0] =	vst.idx.msk vm7, v3  }
0x74: {  	v5 =	vld [tilespmem:$0x1FFE0];
	_ =	sdelay $0x1  }
0x75: {  	vm1 =	vmand vm15, vm13  }
0x76: {  	vm2 =	vmand vm2, vm14  }
0x77: {  	vm0 =	vmand vm10, vm0  }
0x78: {  	vm3 =	vmand vm6, vm12;
	vm4 =	vmand vm5, vm11;
	vm13 =	vnez.u8 v5  }
0x79: {  	vm3 =	vmand vm13, vm3  }
0x7a: {  	[tilespmem:v6+s12+$0x0] =	vst.idx.msk vm8, v3  }
0x7b: {  	[tilespmem:v11+s12+$0x0] =	vst.idx.msk vm1, v3  }
0x7c: {  	[tilespmem:v13+s12+$0x0] =	vst.idx.msk vm2, v3  }
0x7d: {  	[tilespmem:v9+s12+$0x0] =	vst.idx.msk vm0, v3  }
0x7e: {  	[tilespmem:v10+s12+$0x0] =	vst.idx.msk vm4, v3  }
0x7f: {  	[tilespmem:v12+s12+$0x0] =	vst.idx.msk vm3, v3  }
0x80: {  	v5 =	vld [tilespmem:$0x3B80];
	_ =	sdelay $0x4  }
0x81: {  	vm14 =	vge.f32 v5, $0.0e+00;
	v5 =	vld [tilespmem:$0x1FFF0];
	_ =	sdelay $0x3  }
0x82: {  	v6 =	vld [tilespmem:$0x1380]  }
0x83: {  	vm15 =	vnez.u8 v5  }
0x84: {  	vm0 =	vmand vm14, vm15;
	_ =	sdelay $0x5  }
0x85: {  	s17 =	simm.s32 $0x40;
	[tilespmem:v6+s12+$0x0] =	vst.idx.msk vm0, v3  }
0x86: {  	v7 =	vld [tilespmem:s17+$0xFFFFFFC0]  }
0x87: {  	v8 =	vld [tilespmem:s17+$0xFFFFFFD0]  }
0x88: {  	v11 =	vld [tilespmem:s17+$0xFFFFFFE0]  }
0x89: {  	v13 =	vld [tilespmem:s17+$0xFFFFFFF0]  }
0x8a: {  	v15 =	vld [tilespmem:s17+$0x0]  }
0x8b: {  	v9 =	vld [tilespmem:s17+$0x20]  }
0x8c: {  	v6 =	vld [tilespmem:s17+$0x30]  }
0x8d: {  	v10 =	vld [tilespmem:s17+$0x10]  }
0x8e: {  	v12 =	vld.idx.msk [tilespmem:v7+s12+$0x0], $0xffff  }
0x8f: {  	v14 =	vld.idx.msk [tilespmem:v8+s12+$0x0], $0xffff  }
0x90: {  	v16 =	vld.idx.msk [tilespmem:v11+s12+$0x0], $0xffff  }
0x91: {  	v17 =	vld.idx.msk [tilespmem:v13+s12+$0x0], $0xffff  }
0x92: {  	v18 =	vld.idx.msk [tilespmem:v15+s12+$0x0], $0xffff  }
0x93: {  	v20 =	vld.idx.msk [tilespmem:v9+s12+$0x0], $0xffff  }
0x94: {  	v19 =	vld.idx.msk [tilespmem:v6+s12+$0x0], $0xffff  }
0x95: {  	s18 =	simm.s32 $0x0;
	s19 =	simm.s32 $0xC0;
	v5 =	vimm.s32 $0x0;
	v21 =	vld.idx.msk [tilespmem:v10+s12+$0x0], $0xffff  }
.LBB2_10:
0x96: {  	v22 =	vld [tilespmem:s19+$0xFFFFFFC0]  }
0x97: {  	v23 =	vld [tilespmem:s19+$0xFFFFFFD0]  }
0x98: {  	vm3 =	veq.s32 v12, v3;
	v24 =	vld [tilespmem:s19+$0xFFFFFFE0]  }
0x99: {  	vm4 =	veq.s32 v14, v3;
	vm0 =	veq.s32 v16, v3;
	vm1 =	veq.s32 v17, v3;
	v25 =	vld [tilespmem:s19+$0xFFFFFFF0]  }
0x9a: {  	vm2 =	veq.s32 v18, v3;
	vm5 =	veq.s32 v20, v3;
	vm6 =	veq.s32 v19, v3;
	v26 =	vld [tilespmem:s19+$0x0]  }
0x9b: {  	v12 =	vsel vm5, v4, v9;
	vm7 =	veq.s32 v21, v3;
	v19 =	vsel vm6, v4, v6;
	v9 =	vld [tilespmem:s19+$0x20]  }
0x9c: {  	s18 =	sadd.s32 $0x80, s18;
	vm5 =	veq.s32 v12, v4;
	v14 =	vsel vm7, v4, v10;
	vm6 =	veq.s32 v19, v4;
	v6 =	vld [tilespmem:s19+$0x30];
	[tilespmem:s17+$0x20] =	vst v12  }
0x9d: {  	p0 =	slt.u32 s18, $0x1300;
	v15 =	vsel vm2, v4, v15;
	vm2 =	veq.s32 v14, v4;
	vm5 =	vmand vm6, vm5;
	v10 =	vld [tilespmem:s19+$0x10];
	[tilespmem:s17+$0x10] =	vst v14  }
0x9e: {  	v13 =	vsel vm1, v4, v13;
	vm1 =	veq.s32 v15, v4;
	vm2 =	vmand vm5, vm2;
	v12 =	vld.idx.msk [tilespmem:v22+s12+$0x0], $0xffff;
	[tilespmem:s17+$0x0] =	vst v15  }
0x9f: {  	v11 =	vsel vm0, v4, v11;
	vm0 =	veq.s32 v13, v4;
	vm1 =	vmand vm2, vm1;
	v14 =	vld.idx.msk [tilespmem:v23+s12+$0x0], $0xffff;
	[tilespmem:s17+$0xFFFFFFF0] =	vst v13  }
0xa0: {  	vm2 =	veq.s32 v11, v4;
	v13 =	vsel vm4, v4, v8;
	vm0 =	vmand vm1, vm0;
	v16 =	vld.idx.msk [tilespmem:v24+s12+$0x0], $0xffff;
	[tilespmem:s17+$0xFFFFFFE0] =	vst v11  }
.Ltmp4:
0xa1: {  	v21 =	vsel vm3, v4, v7;
	vm1 =	veq.s32 v13, v4;
	vm0 =	vmand vm0, vm2;
	v17 =	vld.idx.msk [tilespmem:v25+s12+$0x0], $0xffff;
	[tilespmem:s17+$0xFFFFFFD0] =	vst v13;
	(pc) =	sbr.rel @p0 .LBB2_10-.Ltmp4, $4  }
0xa2: {  	v7 =	vmovc v22;
	v8 =	vmov v23;
	vm2 =	veq.s32 v21, v4;
	vm0 =	vmand vm0, vm1;
	v18 =	vld.idx.msk [tilespmem:v26+s12+$0x0], $0xffff;
	[tilespmem:s17+$0xFFFFFFC0] =	vst v21  }
0xa3: {  	v15 =	vmovc v26;
	v11 =	vmov v24;
	vm0 =	vmand vm0, vm2;
	v13 =	vmov v25;
	v20 =	vld.idx.msk [tilespmem:v9+s12+$0x0], $0xffff;
	[tilespmem:s17+$0x30] =	vst v19;
	s17 =	smov.u32 s19  }
0xa4: {  	v5 =	vnsel vm0, $0x1, v5;
	v19 =	vld.idx.msk [tilespmem:v6+s12+$0x0], $0xffff  }
0xa5: {  	s19 =	sadd.s32 $0x80, s19;
	v21 =	vld.idx.msk [tilespmem:v10+s12+$0x0], $0xffff  }
0xa6: {  	vm15 =	veq.s32 v17, v3  }
0xa7: {  	vm4 =	veq.s32 v16, v3;
	v13 =	vsel vm15, v4, v13  }
0xa8: {  	vm5 =	veq.s32 v14, v3;
	v11 =	vsel vm4, v4, v11;
	[tilespmem:s17+$0xFFFFFFF0] =	vst v13  }
0xa9: {  	vm6 =	veq.s32 v12, v3;
	v8 =	vsel vm5, v4, v8;
	[tilespmem:s17+$0xFFFFFFE0] =	vst v11  }
0xaa: {  	vm14 =	veq.s32 v18, v3;
	v7 =	vsel vm6, v4, v7;
	[tilespmem:s17+$0xFFFFFFD0] =	vst v8  }
0xab: {  	vm0 =	veq.s32 v20, v3;
	v15 =	vsel vm14, v4, v15;
	[tilespmem:s17+$0xFFFFFFC0] =	vst v7  }
0xac: {  	v9 =	vsel vm0, v4, v9;
	[tilespmem:s17+$0x0] =	vst v15;
	vm7 =	veq.s32 v19, v3  }
0xad: {  	vm1 =	veq.s32 v21, v3;
	[tilespmem:s17+$0x20] =	vst v9;
	v6 =	vsel vm7, v4, v6  }
0xae: {  	v10 =	vsel vm1, v4, v10;
	[tilespmem:s17+$0x30] =	vst v6  }
0xaf: {  	[tilespmem:s17+$0x10] =	vst v10  }
0xb0: {  	v61 =	vld [tilespmem:$0x1380];
	_ =	sdelay $0x5  }
0xb1: {  	vm8 =	veq.s32 v9, v4;
	vm1 =	veq.s32 v6, v4  }
0xb2: {  	vm2 =	veq.s32 v10, v4;
	vm0 =	vmand vm1, vm8  }
0xb3: {  	vm9 =	veq.s32 v15, v4;
	vm0 =	vmand vm0, vm2;
	v62 =	vld.idx.msk [tilespmem:v61+s12+$0x0], $0xffff  }
0xb4: {  	vm10 =	veq.s32 v13, v4;
	vm0 =	vmand vm0, vm9  }
0xb5: {  	vm11 =	veq.s32 v11, v4;
	vm0 =	vmand vm0, vm10  }
0xb6: {  	vm12 =	veq.s32 v8, v4;
	vm0 =	vmand vm0, vm11  }
0xb7: {  	vm13 =	veq.s32 v7, v4;
	vm0 =	vmand vm0, vm12  }
0xb8: {  	vm0 =	vmand vm0, vm13;
	vm14 =	veq.s32 v62, v3  }
0xb9: {  	v3 =	vnsel vm0, $0x1, v5;
	v63 =	vsel vm14, v4, v61  }
0xba: {  	v3 =	vor.u32 $0x80000000, v3;
	vm15 =	veq.s32 v63, v4  }
0xbb: {  	v3 =	vnsel vm15, $0x80000001, v3  }
0xbc: {  	(xrf0) =	vmax.scan.msk.u32 $0xffff, v3;
	_ =	sdelay $0x5  }
0xbd: {  	v3, _, _ =	vpop (xrf0)  }
0xbe: {  	(v2sf) =	vpush v3, $0xF;
	_ =	sdelay $0xe  }
0xbf: {  	p0 =	sgt.u32 s16, $0xFE;
	s17 =	spop (v2sf)  }
0xc0: {  	p1 =	sne.s32 @!p0 s17, $0x80000000  }
0xc1: {  	p0 =	por p0, !p1  }
.Ltmp5:
0xc2: {  	_ = 	snop;
	(pc) =	sbr.rel @!p0 .LBB2_7-.Ltmp5, $3  }
0xc3: {  	_ =	sdelay $0x1  }
0xc4: {  	s18 =	sadd.s32 $0x1, s16  }
0xc5: {  	s16 =	smov.u32 s18;
	[tilespmem:$0x1380] =	vst v63  }
0xc6: {  	p0 =	seq.s32 s17, $0x80000000;
	s15 =	simm.s32 $0x1;
	v3 =	vmov s18;
	vm0 =	vcmask $0x300  }
0xc7: {  	vm15 =	vcmask $0x704;
	s15 =	simm.s32 @!p0 $0x0;
	v3 =	vnsel vm0, $0x0, v3  }
0xc8: {  	v3 =	vsel vm15, s15, v3  }
0xc9: {  	[tilespmem:$0x3C00] =	vst v3  }
0xca: {  	[hbm4b:s4+s2] =	stream.linear.scatter [tilespmem:s2], [sflag:$0x1], $0x1400, $0x38;
	[tilespmem:$0x3C80] =	vst v63  }
0xcb: {  	_ =	swait.ge [sflag:s11], $0x1400  }
0xcc: {  	[sflag:s11] =	ssyncset.done $0x0  }
0xcd: {  	[sflag:s11] =	ssyncadd.s32 $0xFFFFEC00  }
0xce: {  	[hbm4b:s5+s2] =	stream.linear.scatter [tilespmem:s12], [sflag:$0x1], $0x1400, $0x38;
	[tilespmem:$0x3C80] =	vst v63  }
0xcf: {  	s14 =	sadd.s32 $0x1, s14;
	_ =	swait.ge [sflag:s11], $0x1400  }
0xd0: {  	p0 =	sne.s32 s14, s7;
	[sflag:s11] =	ssyncset.done $0x0  }
.Ltmp6:
0xd1: {  	[sflag:s11] =	ssyncadd.s32 $0xFFFFEC00;
	(pc) =	sbr.rel @p0 .LBB2_2-.Ltmp6, $4  }
0xd2: {  	[hbm4b:s6+s2] =	stream.linear.scatter [tilespmem:s13], [sflag:$0x1], $0x80, $0x38;
	[tilespmem:$0x3C80] =	vst v63  }
0xd3: {  	_ =	swait.ge [sflag:s11], $0x80  }
0xd4: {  	[sflag:s11] =	ssyncset.done $0x0  }
0xd5: {  	[sflag:s11] =	ssyncadd.s32 $0xFFFFFF80  }
.LBB2_13:
0xd6: {  	_ =	sfence.sel $0x180000  }
0xd7: {  	[bflag:$0x0] =	sbarrier.arrive $0xFFFF  }
0xd8: {  	p0 =	sne.s32 s1, $0x0;
	_ =	strace $0x9000004A  }
0xd9: {  	s0 =	sadd.s32 @!p0 $0x100000, s0;
	[bflag:$0x2] =	sbarrier.arrive $0xFFFF  }
0xda: {  	[sflag:s0] =	ssyncadd.tile.s32 @!p0 $0x1;
	_ =	shalt  }
.Lfunc_end2:
_tile_overlayer_lowered:
.L_overlay_start_2:
0xdb: {  	(tag) =	ssettag $0x2  }
0xdc: {  	s0 =	rddreg [dreg:$0x0];
	s2 =	stileid.u32  }
0xdd: {  	s1 =	rddreg [dreg:$0x1];
	p0 =	sne.s32 s2, $0x0  }
0xde: {  	s3 =	rddreg [dreg:$0x2];
	[bflag:$0x3] =	sbarrier.arrive $0xFFFF;
	s2 =	simm.s32 @!p0 $0x1C01  }
0xdf: {  	[timem:s3], [sflag:s2] =	dma.local @!p0 [hbm:s0], s1  }
0xe0: {  	s0 =	simm.s32 @!p0 $0x1  }
0xe1: {  	_ =	swait.ge @!p0 [sflag:s0], s1  }
0xe2: {  	s1 =	ssub.s32 @!p0 $0x0, s1;
	[sflag:s0] =	ssyncset.done @!p0 $0x0  }
0xe3: {  	[sflag:s0] =	ssyncadd.s32 @!p0 s1  }
0xe4: {  	[bflag:$0x3] =	sbarrier.arrive $0xFFFF  }
0xe5: {  	_ =	shalt  }

</sc_bundles>
